<compile_context>
chip_gen: v7x
topology: tpu7x:2x2x1
jax: 0.10.2.dev20260603
libtpu: 0.0.44.dev20260713+nightly
codegen_flags: <defaults>
</compile_context>

<pallas_src>
import functools

import jax
import jax.numpy as jnp
from jax import lax
from jax.experimental import pallas as pl
from jax.experimental.pallas import tpu as pltpu
from jax.experimental.pallas import tpu_sc as plsc

N = 10000
E = 320000
D = 128
B = 64

NC = 2
NS = 16
NW = NC * NS

NP = 10240
EP = 327680
ET = EP // NW
CH = 128
NCHUNK = ET // CH
RPT = NP // NS

ET1 = EP // NS
NCHUNK1 = ET1 // CH

_mesh = plsc.VectorSubcoreMesh(core_axis_name="c", subcore_axis_name="s")
_mesh1 = plsc.VectorSubcoreMesh(core_axis_name="c", subcore_axis_name="s",
                                num_cores=1)


@functools.partial(
    pl.kernel,
    out_type=jax.ShapeDtypeStruct((NC, NP), jnp.float32),
    mesh=_mesh,
    scratch_types=[
        pltpu.VMEM_SHARED((NP,), jnp.float32),
        pltpu.VMEM((CH,), jnp.int32), pltpu.VMEM((CH,), jnp.int32),
        pltpu.VMEM((CH,), jnp.float32),
        pltpu.SemaphoreType.DMA, pltpu.SemaphoreType.DMA,
    ],
)
def _sc_degree(dst_hbm, zeros1_hbm, deg_hbm, acc_sh, ix0, ix1, ones_v,
               sd0, sd1):
    cid = lax.axis_index("c")
    tid = lax.axis_index("s")
    wid = tid * NC + cid
    ebase = wid * ET
    IX, SD = (ix0, ix1), (sd0, sd1)

    pltpu.sync_copy(zeros1_hbm.at[pl.ds(tid * RPT, RPT)],
                    acc_sh.at[pl.ds(tid * RPT, RPT)])
    for i in range(CH // 16):
        ones_v[pl.ds(i * 16, 16)] = jnp.ones((16,), jnp.float32)
    plsc.subcore_barrier()

    def start_idx(c, b):
        pltpu.async_copy(dst_hbm.at[pl.ds(ebase + c * CH, CH)], IX[b], SD[b])

    def wait_idx(c, b):
        pltpu.make_async_copy(dst_hbm.at[pl.ds(ebase + c * CH, CH)],
                              IX[b], SD[b]).wait()

    def scatter(b):
        pltpu.sync_copy(ones_v, acc_sh.at[IX[b]], add=True)

    start_idx(0, 0)
    start_idx(1, 1)

    def body(i, carry):
        c0 = 2 * i
        wait_idx(c0, 0)
        scatter(0)
        start_idx(c0 + 2, 0)
        wait_idx(c0 + 1, 1)
        scatter(1)
        start_idx(c0 + 3, 1)
        return carry

    lax.fori_loop(0, NCHUNK // 2 - 1, body, 0)
    wait_idx(NCHUNK - 2, 0)
    scatter(0)
    wait_idx(NCHUNK - 1, 1)
    scatter(1)
    plsc.subcore_barrier()
    pltpu.sync_copy(acc_sh.at[pl.ds(tid * RPT, RPT)],
                    deg_hbm.at[cid, pl.ds(tid * RPT, RPT)])


@functools.partial(
    pl.kernel,
    out_type=jax.ShapeDtypeStruct((NP, D), jnp.float32),
    mesh=_mesh1,
    scratch_types=[
        pltpu.VMEM_SHARED((NP, D), jnp.float32),
        pltpu.VMEM((CH,), jnp.int32), pltpu.VMEM((CH,), jnp.int32),
        pltpu.VMEM((CH,), jnp.int32), pltpu.VMEM((CH,), jnp.int32),
        pltpu.VMEM((CH, D), jnp.float32), pltpu.VMEM((CH, D), jnp.float32),
        pltpu.SemaphoreType.DMA, pltpu.SemaphoreType.DMA,
        pltpu.SemaphoreType.DMA, pltpu.SemaphoreType.DMA,
    ],
)
def _sc_aggregate(hs_hbm, src_hbm, dst_hbm, zeros2_hbm, agg_hbm,
                  acc_sh, is0, is1, id0, id1, r0, r1,
                  si0, si1, sg0, sg1):
    tid = lax.axis_index("s")
    ebase = tid * ET1
    IS, ID, RW = (is0, is1), (id0, id1), (r0, r1)
    SI, SG = (si0, si1), (sg0, sg1)

    pltpu.sync_copy(zeros2_hbm.at[pl.ds(tid * RPT, RPT)],
                    acc_sh.at[pl.ds(tid * RPT, RPT)])

    def start_idx(c, b):
        off = ebase + c * CH
        pltpu.async_copy(src_hbm.at[pl.ds(off, CH)], IS[b], SI[b])
        pltpu.async_copy(dst_hbm.at[pl.ds(off, CH)], ID[b], SI[b])

    def wait_idx(c, b):
        off = ebase + c * CH
        pltpu.make_async_copy(src_hbm.at[pl.ds(off, CH)], IS[b], SI[b]).wait()
        pltpu.make_async_copy(dst_hbm.at[pl.ds(off, CH)], ID[b], SI[b]).wait()

    def start_gather(b):
        pltpu.async_copy(hs_hbm.at[IS[b]], RW[b], SG[b])

    def wait_gather(b):
        pltpu.make_async_copy(hs_hbm.at[IS[b]], RW[b], SG[b]).wait()

    def scatter(b):
        pltpu.sync_copy(RW[b], acc_sh.at[ID[b]], add=True)

    plsc.subcore_barrier()

    start_idx(0, 0)
    wait_idx(0, 0)
    start_gather(0)
    start_idx(1, 1)

    def body(i, carry):
        c0 = 2 * i
        wait_gather(0)
        start_idx(c0 + 2, 0)
        wait_idx(c0 + 1, 1)
        start_gather(1)
        scatter(0)
        wait_gather(1)
        start_idx(c0 + 3, 1)
        wait_idx(c0 + 2, 0)
        start_gather(0)
        scatter(1)
        return carry

    lax.fori_loop(0, NCHUNK1 // 2 - 1, body, 0)
    wait_gather(0)
    wait_idx(NCHUNK1 - 1, 1)
    start_gather(1)
    scatter(0)
    wait_gather(1)
    scatter(1)

    plsc.subcore_barrier()
    pltpu.sync_copy(acc_sh.at[pl.ds(tid * RPT, RPT)],
                    agg_hbm.at[pl.ds(tid * RPT, RPT)])


BLK = 512
NBLK = NP // BLK


def _tc_prescale_body(x_ref, w_ref, deg_ref, hs_ref, dinv_ref):
    deg = deg_ref[...]
    d = deg[:, 0:1] + deg[:, 1:2] + 1.0
    dinv = lax.rsqrt(jnp.maximum(d, 1.0))
    h = jnp.dot(x_ref[...], w_ref[...], preferred_element_type=jnp.float32)
    hs_ref[...] = dinv * h
    dinv_ref[...] = dinv


def _tc_prescale(x_p, w1, deg_t):
    return pl.pallas_call(
        _tc_prescale_body,
        grid=(NBLK,),
        in_specs=[
            pl.BlockSpec((BLK, D), lambda i: (i, 0)),
            pl.BlockSpec((D, D), lambda i: (0, 0)),
            pl.BlockSpec((BLK, 2), lambda i: (i, 0)),
        ],
        out_specs=[
            pl.BlockSpec((BLK, D), lambda i: (i, 0)),
            pl.BlockSpec((BLK, 1), lambda i: (i, 0)),
        ],
        out_shape=[
            jax.ShapeDtypeStruct((NP, D), jnp.float32),
            jax.ShapeDtypeStruct((NP, 1), jnp.float32),
        ],
    )(x_p, w1, deg_t)


def _tc_mid_body(agg_ref, hs1_ref, dinv_ref, b1_ref, w2_ref, hs2_ref):
    s = agg_ref[...] + hs1_ref[...]
    dinv = dinv_ref[...]
    out1 = jnp.maximum(dinv * s + b1_ref[...], 0.0)
    h2 = jnp.dot(out1, w2_ref[...], preferred_element_type=jnp.float32)
    hs2_ref[...] = dinv * h2


def _tc_mid(agg1, hs1, dinv, b1, w2):
    return pl.pallas_call(
        _tc_mid_body,
        grid=(NBLK,),
        in_specs=[
            pl.BlockSpec((BLK, D), lambda i: (i, 0)),
            pl.BlockSpec((BLK, D), lambda i: (i, 0)),
            pl.BlockSpec((BLK, 1), lambda i: (i, 0)),
            pl.BlockSpec((1, D), lambda i: (0, 0)),
            pl.BlockSpec((D, D), lambda i: (0, 0)),
        ],
        out_specs=pl.BlockSpec((BLK, D), lambda i: (i, 0)),
        out_shape=jax.ShapeDtypeStruct((NP, D), jnp.float32),
    )(agg1, hs1, dinv, b1, w2)


def _tc_final_body(agg_ref, hs2_ref, dinv_ref, b2_ref, batch_ref, out_ref,
                   pool_acc, cnt_acc):
    i = pl.program_id(0)

    @pl.when(i == 0)
    def _():
        pool_acc[...] = jnp.zeros_like(pool_acc)
        cnt_acc[...] = jnp.zeros_like(cnt_acc)

    s = agg_ref[...] + hs2_ref[...]
    out2 = jnp.maximum(dinv_ref[...] * s + b2_ref[...], 0.0)
    iota = lax.broadcasted_iota(jnp.int32, (BLK, B), 1)
    cmp = (batch_ref[...] == iota).astype(jnp.float32)
    dn = (((0,), (0,)), ((), ()))
    pool_acc[...] += lax.dot_general(cmp, out2, dn,
                                     preferred_element_type=jnp.float32)
    cnt_acc[...] += lax.dot_general(cmp, jnp.ones((BLK, D), jnp.float32), dn,
                                    preferred_element_type=jnp.float32)

    @pl.when(i == NBLK - 1)
    def _():
        out_ref[...] = pool_acc[...] / jnp.maximum(cnt_acc[...], 1.0)


def _tc_final(agg2, hs2, dinv, b2, batch_p):
    return pl.pallas_call(
        _tc_final_body,
        grid=(NBLK,),
        in_specs=[
            pl.BlockSpec((BLK, D), lambda i: (i, 0)),
            pl.BlockSpec((BLK, D), lambda i: (i, 0)),
            pl.BlockSpec((BLK, 1), lambda i: (i, 0)),
            pl.BlockSpec((1, D), lambda i: (0, 0)),
            pl.BlockSpec((BLK, 1), lambda i: (i, 0)),
        ],
        out_specs=pl.BlockSpec((B, D), lambda i: (0, 0)),
        out_shape=jax.ShapeDtypeStruct((B, D), jnp.float32),
        scratch_shapes=[
            pltpu.VMEM((B, D), jnp.float32),
            pltpu.VMEM((B, D), jnp.float32),
        ],
    )(agg2, hs2, dinv, b2, batch_p)


@jax.jit
def kernel(x, edge_index, batch, W1, b1, W2, b2):
    i32 = jnp.int32
    f32 = jnp.float32
    src = jnp.concatenate(
        [edge_index[0].astype(i32), jnp.zeros((EP - E,), i32)])
    dst = jnp.concatenate(
        [edge_index[1].astype(i32), jnp.full((EP - E,), NP - 1, i32)])
    batch_p = jnp.concatenate(
        [batch.astype(i32), jnp.full((NP - N,), B, i32)]).reshape(NP, 1)
    x_p = jnp.pad(x.astype(f32), ((0, NP - N), (0, 0)))
    zeros1 = jnp.zeros((NP,), f32)
    zeros2 = jnp.zeros((NP, D), f32)
    b1r = b1.astype(f32).reshape(1, D)
    b2r = b2.astype(f32).reshape(1, D)

    deg = _sc_degree(dst, zeros1)
    deg_t = deg.T
    hs1, dinv = _tc_prescale(x_p, W1.astype(f32), deg_t)
    agg1 = _sc_aggregate(hs1, src, dst, zeros2)
    hs2 = _tc_mid(agg1, hs1, dinv, b1r, W2.astype(f32))
    agg2 = _sc_aggregate(hs2, src, dst, zeros2)
    return _tc_final(agg2, hs2, dinv, b2r, batch_p)

# --- scband reference (transcript-rebuilt; emitter-appended) ---
"""Pipeline reference for scband-graphlet-encoder-90941637525518 (READ-ONLY COPY).

The authoritative reference and input builder live on the scoring server;
editing this copy changes nothing except your own understanding.
"""

import jax, jax.numpy as jnp
import numpy as np

N = 10000
E = 320000
D = 128
H = 128
B = 64


def setup_inputs(seed: int = 0) -> dict:
    key = jax.random.key(seed)
    ks = jax.random.split(key, 6)
    x = jax.random.normal(ks[0], (N, D), dtype=jnp.float32)
    edge_index = jax.random.randint(ks[1], (2, E), 0, N)
    batch = jnp.sort(jax.random.randint(ks[2], (N,), 0, B))
    W1 = jax.random.normal(ks[3], (D, H), dtype=jnp.float32) * (1.0 / np.sqrt(D))
    b1 = jnp.zeros((H,), dtype=jnp.float32)
    W2 = jax.random.normal(ks[4], (H, H), dtype=jnp.float32) * (1.0 / np.sqrt(H))
    b2 = jnp.zeros((H,), dtype=jnp.float32)
    return {"x": x, "edge_index": edge_index, "batch": batch, "W1": W1, "b1": b1, "W2": W2, "b2": b2}


def _gcn_conv(x, edge_index, W, b):
    n = x.shape[0]
    loop = jnp.arange(n, dtype=edge_index.dtype)
    src = jnp.concatenate([edge_index[0], loop])
    dst = jnp.concatenate([edge_index[1], loop])
    # symmetric normalization with self-loops (PyG GCNConv default)
    deg = jax.ops.segment_sum(jnp.ones(src.shape[0], dtype=x.dtype), dst, num_segments=n)
    dinv = jax.lax.rsqrt(jnp.maximum(deg, 1.0))
    norm = dinv[src] * dinv[dst]
    h = x @ W
    msg = jnp.take(h, src, axis=0) * norm[:, None]
    out = jax.ops.segment_sum(msg, dst, num_segments=n)
    return out + b


def _global_mean_pool(h, batch):
    s = jax.ops.segment_sum(h, batch, num_segments=B)
    cnt = jax.ops.segment_sum(jnp.ones((h.shape[0],), dtype=h.dtype), batch, num_segments=B)
    return s / jnp.maximum(cnt, 1.0)[:, None]


def reference(x, edge_index, batch, W1, b1, W2, b2):
    h = jax.nn.relu(_gcn_conv(x, edge_index, W1, b1))
    # dropout is identity in eval mode (training=False)
    h = jax.nn.relu(_gcn_conv(h, edge_index, W2, b2))
    return _global_mean_pool(h, batch)

if __name__ == "__main__":
    import jax
    _d = setup_inputs()
    print(jax.jit(kernel)(*tuple(_d.values())))

</pallas_src>

<mosaic_0001>
#map = affine_map<(d0, d1) -> (0)>
#map1 = affine_map<(d0, d1) -> (0, 0)>
module attributes {stable_mosaic.version = 14 : i64} {
  func.func @_sc_degree(%arg0: i32, %arg1: i32, %arg2: memref<327680xi32, #tpu.memory_space<hbm>>, %arg3: memref<10240xf32, #tpu.memory_space<hbm>>, %arg4: memref<2x10240xf32, #tpu.memory_space<hbm>>, %arg5: memref<10240xf32, #tpu.memory_space<vmem_shared>>, %arg6: memref<128xi32, #tpu.memory_space<vmem>>, %arg7: memref<128xi32, #tpu.memory_space<vmem>>, %arg8: memref<128xf32, #tpu.memory_space<vmem>>, %arg9: memref<!tpu.dma_semaphore, #tpu.memory_space<semaphore_mem>>, %arg10: memref<!tpu.dma_semaphore, #tpu.memory_space<semaphore_mem>>) attributes {dimension_semantics = [#tpu.dimension_semantics<core_parallel>, #tpu.dimension_semantics<subcore_parallel>], iteration_bounds = array<i64: 2, 16>, scalar_prefetch = 0 : i64, scratch_operands = 6 : i64, tpu.core_type = #tpu.core_type<sc_vector_subcore>, window_params = [{transform_indices = #map}, {transform_indices = #map}, {transform_indices = #map1}]} {
    %mul3A = arith.constant 2 : i32
    %mul3A_0 = arith.muli %arg1, %mul3A : i32
    %add3A = arith.addi %mul3A_0, %arg0 : i32
    %mul3A_1 = arith.constant 10240 : i32
    %mul3A_2 = arith.muli %add3A, %mul3A_1 : i32
    %mul3A_3 = arith.constant 640 : i32
    %mul3A_4 = arith.muli %arg1, %mul3A_3 : i32
    %mul3A_5 = arith.constant 640 : i32
    %mul3A_6 = arith.muli %arg1, %mul3A_5 : i32
    "tpu.region"() ({
      %run_scoped3A = tpu.sem_alloc : memref<!tpu.dma_semaphore, #tpu.memory_space<semaphore_mem>>
      %dma_start3A_77 = tpu.memref_slice %arg5[%mul3A_6] : memref<10240xf32, #tpu.memory_space<vmem_shared>> -> memref<640xf32, #tpu.memory_space<vmem_shared>>
      %dma_start3A_78 = tpu.memref_slice %arg3[%mul3A_4] : memref<10240xf32, #tpu.memory_space<hbm>> -> memref<640xf32, #tpu.memory_space<hbm>>
      tpu.enqueue_dma source(%dma_start3A_78 : memref<640xf32, #tpu.memory_space<hbm>>) target(%dma_start3A_77 : memref<640xf32, #tpu.memory_space<vmem_shared>>) target_semaphore(%run_scoped3A : memref<!tpu.dma_semaphore, #tpu.memory_space<semaphore_mem>>)
      %dma_wait3A_79 = tpu.memref_slice %arg5[%mul3A_6] : memref<10240xf32, #tpu.memory_space<vmem_shared>> -> memref<640xf32, #tpu.memory_space<vmem_shared>>
      %dma_wait3A_80 = tpu.memref_slice %arg3[%mul3A_4] : memref<10240xf32, #tpu.memory_space<hbm>> -> memref<640xf32, #tpu.memory_space<hbm>>
      tpu.wait_dma2 semaphore(%run_scoped3A : memref<!tpu.dma_semaphore, #tpu.memory_space<semaphore_mem>>) src(%dma_wait3A_80 : memref<640xf32, #tpu.memory_space<hbm>>) dst(%dma_wait3A_79 : memref<640xf32, #tpu.memory_space<vmem_shared>>)
      tpu.yield
    }) : () -> ()
    %broadcast_in_dim3A = arith.constant 1.000000e+00 : f32
    %broadcast_in_dim3A_7 = vector.broadcast %broadcast_in_dim3A : f32 to vector<16xf32>
    %swap3A = arith.constant 0 : index
    %swap3A_8 = tpu.vector_load %arg8[%swap3A] {strides = array<i32>} : memref<128xf32, #tpu.memory_space<vmem>>, vector<16xf32>,
    %swap3A_9 = vector.shape_cast %swap3A_8 : vector<16xf32> to vector<16xf32>
    %swap3A_10 = vector.shape_cast %broadcast_in_dim3A_7 : vector<16xf32> to vector<16xf32>
    tpu.vector_store %arg8[%swap3A], %swap3A_10 {strides = array<i32>} : memref<128xf32, #tpu.memory_space<vmem>>, vector<16xf32>,
    %broadcast_in_dim3A_11 = arith.constant 1.000000e+00 : f32
    %broadcast_in_dim3A_12 = vector.broadcast %broadcast_in_dim3A_11 : f32 to vector<16xf32>
    %swap3A_13 = arith.constant 16 : index
    %swap3A_14 = tpu.vector_load %arg8[%swap3A_13] {strides = array<i32>} : memref<128xf32, #tpu.memory_space<vmem>>, vector<16xf32>,
    %swap3A_15 = vector.shape_cast %swap3A_14 : vector<16xf32> to vector<16xf32>
    %swap3A_16 = vector.shape_cast %broadcast_in_dim3A_12 : vector<16xf32> to vector<16xf32>
    tpu.vector_store %arg8[%swap3A_13], %swap3A_16 {strides = array<i32>} : memref<128xf32, #tpu.memory_space<vmem>>, vector<16xf32>,
    %broadcast_in_dim3A_17 = arith.constant 1.000000e+00 : f32
    %broadcast_in_dim3A_18 = vector.broadcast %broadcast_in_dim3A_17 : f32 to vector<16xf32>
    %swap3A_19 = arith.constant 32 : index
    %swap3A_20 = tpu.vector_load %arg8[%swap3A_19] {strides = array<i32>} : memref<128xf32, #tpu.memory_space<vmem>>, vector<16xf32>,
    %swap3A_21 = vector.shape_cast %swap3A_20 : vector<16xf32> to vector<16xf32>
    %swap3A_22 = vector.shape_cast %broadcast_in_dim3A_18 : vector<16xf32> to vector<16xf32>
    tpu.vector_store %arg8[%swap3A_19], %swap3A_22 {strides = array<i32>} : memref<128xf32, #tpu.memory_space<vmem>>, vector<16xf32>,
    %broadcast_in_dim3A_23 = arith.constant 1.000000e+00 : f32
    %broadcast_in_dim3A_24 = vector.broadcast %broadcast_in_dim3A_23 : f32 to vector<16xf32>
    %swap3A_25 = arith.constant 48 : index
    %swap3A_26 = tpu.vector_load %arg8[%swap3A_25] {strides = array<i32>} : memref<128xf32, #tpu.memory_space<vmem>>, vector<16xf32>,
    %swap3A_27 = vector.shape_cast %swap3A_26 : vector<16xf32> to vector<16xf32>
    %swap3A_28 = vector.shape_cast %broadcast_in_dim3A_24 : vector<16xf32> to vector<16xf32>
    tpu.vector_store %arg8[%swap3A_25], %swap3A_28 {strides = array<i32>} : memref<128xf32, #tpu.memory_space<vmem>>, vector<16xf32>,
    %broadcast_in_dim3A_29 = arith.constant 1.000000e+00 : f32
    %broadcast_in_dim3A_30 = vector.broadcast %broadcast_in_dim3A_29 : f32 to vector<16xf32>
    %swap3A_31 = arith.constant 64 : index
    %swap3A_32 = tpu.vector_load %arg8[%swap3A_31] {strides = array<i32>} : memref<128xf32, #tpu.memory_space<vmem>>, vector<16xf32>,
    %swap3A_33 = vector.shape_cast %swap3A_32 : vector<16xf32> to vector<16xf32>
    %swap3A_34 = vector.shape_cast %broadcast_in_dim3A_30 : vector<16xf32> to vector<16xf32>
    tpu.vector_store %arg8[%swap3A_31], %swap3A_34 {strides = array<i32>} : memref<128xf32, #tpu.memory_space<vmem>>, vector<16xf32>,
    %broadcast_in_dim3A_35 = arith.constant 1.000000e+00 : f32
    %broadcast_in_dim3A_36 = vector.broadcast %broadcast_in_dim3A_35 : f32 to vector<16xf32>
    %swap3A_37 = arith.constant 80 : index
    %swap3A_38 = tpu.vector_load %arg8[%swap3A_37] {strides = array<i32>} : memref<128xf32, #tpu.memory_space<vmem>>, vector<16xf32>,
    %swap3A_39 = vector.shape_cast %swap3A_38 : vector<16xf32> to vector<16xf32>
    %swap3A_40 = vector.shape_cast %broadcast_in_dim3A_36 : vector<16xf32> to vector<16xf32>
    tpu.vector_store %arg8[%swap3A_37], %swap3A_40 {strides = array<i32>} : memref<128xf32, #tpu.memory_space<vmem>>, vector<16xf32>,
    %broadcast_in_dim3A_41 = arith.constant 1.000000e+00 : f32
    %broadcast_in_dim3A_42 = vector.broadcast %broadcast_in_dim3A_41 : f32 to vector<16xf32>
    %swap3A_43 = arith.constant 96 : index
    %swap3A_44 = tpu.vector_load %arg8[%swap3A_43] {strides = array<i32>} : memref<128xf32, #tpu.memory_space<vmem>>, vector<16xf32>,
    %swap3A_45 = vector.shape_cast %swap3A_44 : vector<16xf32> to vector<16xf32>
    %swap3A_46 = vector.shape_cast %broadcast_in_dim3A_42 : vector<16xf32> to vector<16xf32>
    tpu.vector_store %arg8[%swap3A_43], %swap3A_46 {strides = array<i32>} : memref<128xf32, #tpu.memory_space<vmem>>, vector<16xf32>,
    %broadcast_in_dim3A_47 = arith.constant 1.000000e+00 : f32
    %broadcast_in_dim3A_48 = vector.broadcast %broadcast_in_dim3A_47 : f32 to vector<16xf32>
    %swap3A_49 = arith.constant 112 : index
    %swap3A_50 = tpu.vector_load %arg8[%swap3A_49] {strides = array<i32>} : memref<128xf32, #tpu.memory_space<vmem>>, vector<16xf32>,
    %swap3A_51 = vector.shape_cast %swap3A_50 : vector<16xf32> to vector<16xf32>
    %swap3A_52 = vector.shape_cast %broadcast_in_dim3A_48 : vector<16xf32> to vector<16xf32>
    tpu.vector_store %arg8[%swap3A_49], %swap3A_52 {strides = array<i32>} : memref<128xf32, #tpu.memory_space<vmem>>, vector<16xf32>,
    %barrier3A = arith.constant 0 : index
    tpu.barrier barrier_id(%barrier3A)
    %add3A_53 = arith.constant 0 : i32
    %add3A_54 = arith.addi %mul3A_2, %add3A_53 : i32
    %dma_start3A = tpu.memref_slice %arg2[%add3A_54] : memref<327680xi32, #tpu.memory_space<hbm>> -> memref<128xi32, #tpu.memory_space<hbm>>
    %dma_start3A_55 = tpu.memref_slice %arg2[%add3A_54] : memref<327680xi32, #tpu.memory_space<hbm>> -> memref<128xi32, #tpu.memory_space<hbm>>
    tpu.enqueue_dma source(%dma_start3A_55 : memref<128xi32, #tpu.memory_space<hbm>>) target(%arg6 : memref<128xi32, #tpu.memory_space<vmem>>) target_semaphore(%arg9 : memref<!tpu.dma_semaphore, #tpu.memory_space<semaphore_mem>>)
    %add3A_56 = arith.constant 128 : i32
    %add3A_57 = arith.addi %mul3A_2, %add3A_56 : i32
    %dma_start3A_58 = tpu.memref_slice %arg2[%add3A_57] : memref<327680xi32, #tpu.memory_space<hbm>> -> memref<128xi32, #tpu.memory_space<hbm>>
    %dma_start3A_59 = tpu.memref_slice %arg2[%add3A_57] : memref<327680xi32, #tpu.memory_space<hbm>> -> memref<128xi32, #tpu.memory_space<hbm>>
    tpu.enqueue_dma source(%dma_start3A_59 : memref<128xi32, #tpu.memory_space<hbm>>) target(%arg7 : memref<128xi32, #tpu.memory_space<vmem>>) target_semaphore(%arg10 : memref<!tpu.dma_semaphore, #tpu.memory_space<semaphore_mem>>)
    %scan3A = arith.constant 0 : i32
    %scan3A_60 = arith.constant 0 : i32
    %scan3A_61 = arith.constant 39 : i32
    %scan3A_62 = arith.addi %scan3A_60, %scan3A_61 : i32
    %scan3A_63 = arith.constant 1 : i32
    scf.for %scan3A_77 = %scan3A_60 to %scan3A_62 step %scan3A_63  : i32 {
      %mul3A_78 = arith.constant 2 : i32
      %mul3A_79 = arith.muli %mul3A_78, %scan3A_77 : i32
      %mul3A_80 = arith.constant 128 : i32
      %mul3A_81 = arith.muli %mul3A_79, %mul3A_80 : i32
      %add3A_82 = arith.addi %mul3A_2, %mul3A_81 : i32
      %dma_wait3A_83 = tpu.memref_slice %arg2[%add3A_82] : memref<327680xi32, #tpu.memory_space<hbm>> -> memref<128xi32, #tpu.memory_space<hbm>>
      %dma_wait3A_84 = tpu.memref_slice %arg2[%add3A_82] : memref<327680xi32, #tpu.memory_space<hbm>> -> memref<128xi32, #tpu.memory_space<hbm>>
      tpu.wait_dma2 semaphore(%arg9 : memref<!tpu.dma_semaphore, #tpu.memory_space<semaphore_mem>>) src(%dma_wait3A_84 : memref<128xi32, #tpu.memory_space<hbm>>) dst(%arg6 : memref<128xi32, #tpu.memory_space<vmem>>)
      "tpu.region"() ({
        %run_scoped3A = tpu.sem_alloc : memref<!tpu.dma_semaphore, #tpu.memory_space<semaphore_mem>>
        %dma_start3A_106 = arith.constant 0 : i32
        %dma_start3A_107 = tpu.memref_slice %arg5[%dma_start3A_106] : memref<10240xf32, #tpu.memory_space<vmem_shared>> -> memref<10240xf32, #tpu.memory_space<vmem_shared>>
        tpu.enqueue_indirect_dma source(%arg8 : memref<128xf32, #tpu.memory_space<vmem>>) target(%dma_start3A_107 : memref<10240xf32, #tpu.memory_space<vmem_shared>>) offsets(%arg6 : memref<128xi32, #tpu.memory_space<vmem>>) semaphore(%run_scoped3A : memref<!tpu.dma_semaphore, #tpu.memory_space<semaphore_mem>>) {add = true}
        %dma_wait3A_108 = arith.constant 0 : i32
        %dma_wait3A_109 = tpu.memref_slice %arg5[%dma_wait3A_108] : memref<10240xf32, #tpu.memory_space<vmem_shared>> -> memref<10240xf32, #tpu.memory_space<vmem_shared>>
        tpu.wait_indirect_dma semaphore(%run_scoped3A : memref<!tpu.dma_semaphore, #tpu.memory_space<semaphore_mem>>) src(%arg8 : memref<128xf32, #tpu.memory_space<vmem>>) dst(%dma_wait3A_109 : memref<10240xf32, #tpu.memory_space<vmem_shared>>)
        tpu.yield
      }) : () -> ()
      %add3A_85 = arith.constant 2 : i32
      %add3A_86 = arith.addi %mul3A_79, %add3A_85 : i32
      %mul3A_87 = arith.constant 128 : i32
      %mul3A_88 = arith.muli %add3A_86, %mul3A_87 : i32
      %add3A_89 = arith.addi %mul3A_2, %mul3A_88 : i32
      %dma_start3A_90 = tpu.memref_slice %arg2[%add3A_89] : memref<327680xi32, #tpu.memory_space<hbm>> -> memref<128xi32, #tpu.memory_space<hbm>>
      %dma_start3A_91 = tpu.memref_slice %arg2[%add3A_89] : memref<327680xi32, #tpu.memory_space<hbm>> -> memref<128xi32, #tpu.memory_space<hbm>>
      tpu.enqueue_dma source(%dma_start3A_91 : memref<128xi32, #tpu.memory_space<hbm>>) target(%arg6 : memref<128xi32, #tpu.memory_space<vmem>>) target_semaphore(%arg9 : memref<!tpu.dma_semaphore, #tpu.memory_space<semaphore_mem>>)
      %add3A_92 = arith.constant 1 : i32
      %add3A_93 = arith.addi %mul3A_79, %add3A_92 : i32
      %mul3A_94 = arith.constant 128 : i32
      %mul3A_95 = arith.muli %add3A_93, %mul3A_94 : i32
      %add3A_96 = arith.addi %mul3A_2, %mul3A_95 : i32
      %dma_wait3A_97 = tpu.memref_slice %arg2[%add3A_96] : memref<327680xi32, #tpu.memory_space<hbm>> -> memref<128xi32, #tpu.memory_space<hbm>>
      %dma_wait3A_98 = tpu.memref_slice %arg2[%add3A_96] : memref<327680xi32, #tpu.memory_space<hbm>> -> memref<128xi32, #tpu.memory_space<hbm>>
      tpu.wait_dma2 semaphore(%arg10 : memref<!tpu.dma_semaphore, #tpu.memory_space<semaphore_mem>>) src(%dma_wait3A_98 : memref<128xi32, #tpu.memory_space<hbm>>) dst(%arg7 : memref<128xi32, #tpu.memory_space<vmem>>)
      "tpu.region"() ({
        %run_scoped3A = tpu.sem_alloc : memref<!tpu.dma_semaphore, #tpu.memory_space<semaphore_mem>>
        %dma_start3A_106 = arith.constant 0 : i32
        %dma_start3A_107 = tpu.memref_slice %arg5[%dma_start3A_106] : memref<10240xf32, #tpu.memory_space<vmem_shared>> -> memref<10240xf32, #tpu.memory_space<vmem_shared>>
        tpu.enqueue_indirect_dma source(%arg8 : memref<128xf32, #tpu.memory_space<vmem>>) target(%dma_start3A_107 : memref<10240xf32, #tpu.memory_space<vmem_shared>>) offsets(%arg7 : memref<128xi32, #tpu.memory_space<vmem>>) semaphore(%run_scoped3A : memref<!tpu.dma_semaphore, #tpu.memory_space<semaphore_mem>>) {add = true}
        %dma_wait3A_108 = arith.constant 0 : i32
        %dma_wait3A_109 = tpu.memref_slice %arg5[%dma_wait3A_108] : memref<10240xf32, #tpu.memory_space<vmem_shared>> -> memref<10240xf32, #tpu.memory_space<vmem_shared>>
        tpu.wait_indirect_dma semaphore(%run_scoped3A : memref<!tpu.dma_semaphore, #tpu.memory_space<semaphore_mem>>) src(%arg8 : memref<128xf32, #tpu.memory_space<vmem>>) dst(%dma_wait3A_109 : memref<10240xf32, #tpu.memory_space<vmem_shared>>)
        tpu.yield
      }) : () -> ()
      %add3A_99 = arith.constant 3 : i32
      %add3A_100 = arith.addi %mul3A_79, %add3A_99 : i32
      %mul3A_101 = arith.constant 128 : i32
      %mul3A_102 = arith.muli %add3A_100, %mul3A_101 : i32
      %add3A_103 = arith.addi %mul3A_2, %mul3A_102 : i32
      %dma_start3A_104 = tpu.memref_slice %arg2[%add3A_103] : memref<327680xi32, #tpu.memory_space<hbm>> -> memref<128xi32, #tpu.memory_space<hbm>>
      %dma_start3A_105 = tpu.memref_slice %arg2[%add3A_103] : memref<327680xi32, #tpu.memory_space<hbm>> -> memref<128xi32, #tpu.memory_space<hbm>>
      tpu.enqueue_dma source(%dma_start3A_105 : memref<128xi32, #tpu.memory_space<hbm>>) target(%arg7 : memref<128xi32, #tpu.memory_space<vmem>>) target_semaphore(%arg10 : memref<!tpu.dma_semaphore, #tpu.memory_space<semaphore_mem>>)
    }
    %scan3A_64 = arith.constant 39 : i32
    %add3A_65 = arith.constant 9984 : i32
    %add3A_66 = arith.addi %mul3A_2, %add3A_65 : i32
    %dma_wait3A = tpu.memref_slice %arg2[%add3A_66] : memref<327680xi32, #tpu.memory_space<hbm>> -> memref<128xi32, #tpu.memory_space<hbm>>
    %dma_wait3A_67 = tpu.memref_slice %arg2[%add3A_66] : memref<327680xi32, #tpu.memory_space<hbm>> -> memref<128xi32, #tpu.memory_space<hbm>>
    tpu.wait_dma2 semaphore(%arg9 : memref<!tpu.dma_semaphore, #tpu.memory_space<semaphore_mem>>) src(%dma_wait3A_67 : memref<128xi32, #tpu.memory_space<hbm>>) dst(%arg6 : memref<128xi32, #tpu.memory_space<vmem>>)
    "tpu.region"() ({
      %run_scoped3A = tpu.sem_alloc : memref<!tpu.dma_semaphore, #tpu.memory_space<semaphore_mem>>
      %dma_start3A_77 = arith.constant 0 : i32
      %dma_start3A_78 = tpu.memref_slice %arg5[%dma_start3A_77] : memref<10240xf32, #tpu.memory_space<vmem_shared>> -> memref<10240xf32, #tpu.memory_space<vmem_shared>>
      tpu.enqueue_indirect_dma source(%arg8 : memref<128xf32, #tpu.memory_space<vmem>>) target(%dma_start3A_78 : memref<10240xf32, #tpu.memory_space<vmem_shared>>) offsets(%arg6 : memref<128xi32, #tpu.memory_space<vmem>>) semaphore(%run_scoped3A : memref<!tpu.dma_semaphore, #tpu.memory_space<semaphore_mem>>) {add = true}
      %dma_wait3A_79 = arith.constant 0 : i32
      %dma_wait3A_80 = tpu.memref_slice %arg5[%dma_wait3A_79] : memref<10240xf32, #tpu.memory_space<vmem_shared>> -> memref<10240xf32, #tpu.memory_space<vmem_shared>>
      tpu.wait_indirect_dma semaphore(%run_scoped3A : memref<!tpu.dma_semaphore, #tpu.memory_space<semaphore_mem>>) src(%arg8 : memref<128xf32, #tpu.memory_space<vmem>>) dst(%dma_wait3A_80 : memref<10240xf32, #tpu.memory_space<vmem_shared>>)
      tpu.yield
    }) : () -> ()
    %add3A_68 = arith.constant 10112 : i32
    %add3A_69 = arith.addi %mul3A_2, %add3A_68 : i32
    %dma_wait3A_70 = tpu.memref_slice %arg2[%add3A_69] : memref<327680xi32, #tpu.memory_space<hbm>> -> memref<128xi32, #tpu.memory_space<hbm>>
    %dma_wait3A_71 = tpu.memref_slice %arg2[%add3A_69] : memref<327680xi32, #tpu.memory_space<hbm>> -> memref<128xi32, #tpu.memory_space<hbm>>
    tpu.wait_dma2 semaphore(%arg10 : memref<!tpu.dma_semaphore, #tpu.memory_space<semaphore_mem>>) src(%dma_wait3A_71 : memref<128xi32, #tpu.memory_space<hbm>>) dst(%arg7 : memref<128xi32, #tpu.memory_space<vmem>>)
    "tpu.region"() ({
      %run_scoped3A = tpu.sem_alloc : memref<!tpu.dma_semaphore, #tpu.memory_space<semaphore_mem>>
      %dma_start3A_77 = arith.constant 0 : i32
      %dma_start3A_78 = tpu.memref_slice %arg5[%dma_start3A_77] : memref<10240xf32, #tpu.memory_space<vmem_shared>> -> memref<10240xf32, #tpu.memory_space<vmem_shared>>
      tpu.enqueue_indirect_dma source(%arg8 : memref<128xf32, #tpu.memory_space<vmem>>) target(%dma_start3A_78 : memref<10240xf32, #tpu.memory_space<vmem_shared>>) offsets(%arg7 : memref<128xi32, #tpu.memory_space<vmem>>) semaphore(%run_scoped3A : memref<!tpu.dma_semaphore, #tpu.memory_space<semaphore_mem>>) {add = true}
      %dma_wait3A_79 = arith.constant 0 : i32
      %dma_wait3A_80 = tpu.memref_slice %arg5[%dma_wait3A_79] : memref<10240xf32, #tpu.memory_space<vmem_shared>> -> memref<10240xf32, #tpu.memory_space<vmem_shared>>
      tpu.wait_indirect_dma semaphore(%run_scoped3A : memref<!tpu.dma_semaphore, #tpu.memory_space<semaphore_mem>>) src(%arg8 : memref<128xf32, #tpu.memory_space<vmem>>) dst(%dma_wait3A_80 : memref<10240xf32, #tpu.memory_space<vmem_shared>>)
      tpu.yield
    }) : () -> ()
    %barrier3A_72 = arith.constant 0 : index
    tpu.barrier barrier_id(%barrier3A_72)
    %mul3A_73 = arith.constant 640 : i32
    %mul3A_74 = arith.muli %arg1, %mul3A_73 : i32
    %mul3A_75 = arith.constant 640 : i32
    %mul3A_76 = arith.muli %arg1, %mul3A_75 : i32
    "tpu.region"() ({
      %run_scoped3A = tpu.sem_alloc : memref<!tpu.dma_semaphore, #tpu.memory_space<semaphore_mem>>
      %dma_start3A_77 = tpu.memref_slice %arg4[%arg0, %mul3A_76] : memref<2x10240xf32, #tpu.memory_space<hbm>> -> memref<1x640xf32, #tpu.memory_space<hbm>>
      %dma_start3A_78 = tpu.memref_squeeze %dma_start3A_77 : memref<1x640xf32, #tpu.memory_space<hbm>> -> memref<640xf32, #tpu.memory_space<hbm>>
      %dma_start3A_79 = tpu.memref_slice %arg5[%mul3A_74] : memref<10240xf32, #tpu.memory_space<vmem_shared>> -> memref<640xf32, #tpu.memory_space<vmem_shared>>
      tpu.enqueue_dma source(%dma_start3A_79 : memref<640xf32, #tpu.memory_space<vmem_shared>>) target(%dma_start3A_78 : memref<640xf32, #tpu.memory_space<hbm>>) target_semaphore(%run_scoped3A : memref<!tpu.dma_semaphore, #tpu.memory_space<semaphore_mem>>)
      %dma_wait3A_80 = tpu.memref_slice %arg4[%arg0, %mul3A_76] : memref<2x10240xf32, #tpu.memory_space<hbm>> -> memref<1x640xf32, #tpu.memory_space<hbm>>
      %dma_wait3A_81 = tpu.memref_squeeze %dma_wait3A_80 : memref<1x640xf32, #tpu.memory_space<hbm>> -> memref<640xf32, #tpu.memory_space<hbm>>
      %dma_wait3A_82 = tpu.memref_slice %arg5[%mul3A_74] : memref<10240xf32, #tpu.memory_space<vmem_shared>> -> memref<640xf32, #tpu.memory_space<vmem_shared>>
      tpu.wait_dma2 semaphore(%run_scoped3A : memref<!tpu.dma_semaphore, #tpu.memory_space<semaphore_mem>>) src(%dma_wait3A_82 : memref<640xf32, #tpu.memory_space<vmem_shared>>) dst(%dma_wait3A_81 : memref<640xf32, #tpu.memory_space<hbm>>)
      tpu.yield
    }) : () -> ()
    return
  }
}

#map = affine_map<(d0, d1) -> (0, 0)>
#map1 = affine_map<(d0, d1) -> (0)>
module attributes {stable_mosaic.version = 14 : i64} {
  func.func @_sc_aggregate(%arg0: i32, %arg1: i32, %arg2: memref<10240x128xf32, #tpu.memory_space<hbm>>, %arg3: memref<327680xi32, #tpu.memory_space<hbm>>, %arg4: memref<327680xi32, #tpu.memory_space<hbm>>, %arg5: memref<10240x128xf32, #tpu.memory_space<hbm>>, %arg6: memref<10240x128xf32, #tpu.memory_space<hbm>>, %arg7: memref<10240x128xf32, #tpu.memory_space<vmem_shared>>, %arg8: memref<128xi32, #tpu.memory_space<vmem>>, %arg9: memref<128xi32, #tpu.memory_space<vmem>>, %arg10: memref<128xi32, #tpu.memory_space<vmem>>, %arg11: memref<128xi32, #tpu.memory_space<vmem>>, %arg12: memref<128x128xf32, #tpu.memory_space<vmem>>, %arg13: memref<128x128xf32, #tpu.memory_space<vmem>>, %arg14: memref<!tpu.dma_semaphore, #tpu.memory_space<semaphore_mem>>, %arg15: memref<!tpu.dma_semaphore, #tpu.memory_space<semaphore_mem>>, %arg16: memref<!tpu.dma_semaphore, #tpu.memory_space<semaphore_mem>>, %arg17: memref<!tpu.dma_semaphore, #tpu.memory_space<semaphore_mem>>) attributes {dimension_semantics = [#tpu.dimension_semantics<core_parallel>, #tpu.dimension_semantics<subcore_parallel>], iteration_bounds = array<i64: 1, 16>, scalar_prefetch = 0 : i64, scratch_operands = 11 : i64, tpu.core_type = #tpu.core_type<sc_vector_subcore>, window_params = [{transform_indices = #map}, {transform_indices = #map1}, {transform_indices = #map1}, {transform_indices = #map}, {transform_indices = #map}]} {
    %mul3A = arith.constant 20480 : i32
    %mul3A_0 = arith.muli %arg1, %mul3A : i32
    %mul3A_1 = arith.constant 640 : i32
    %mul3A_2 = arith.muli %arg1, %mul3A_1 : i32
    %mul3A_3 = arith.constant 640 : i32
    %mul3A_4 = arith.muli %arg1, %mul3A_3 : i32
    "tpu.region"() ({
      %run_scoped3A = tpu.sem_alloc : memref<!tpu.dma_semaphore, #tpu.memory_space<semaphore_mem>>
      %dma_start3A_48 = arith.constant 0 : i32
      %dma_start3A_49 = tpu.memref_slice %arg7[%mul3A_4, %dma_start3A_48] : memref<10240x128xf32, #tpu.memory_space<vmem_shared>> -> memref<640x128xf32, #tpu.memory_space<vmem_shared>>
      %dma_start3A_50 = arith.constant 0 : i32
      %dma_start3A_51 = tpu.memref_slice %arg5[%mul3A_2, %dma_start3A_50] : memref<10240x128xf32, #tpu.memory_space<hbm>> -> memref<640x128xf32, #tpu.memory_space<hbm>>
      tpu.enqueue_dma source(%dma_start3A_51 : memref<640x128xf32, #tpu.memory_space<hbm>>) target(%dma_start3A_49 : memref<640x128xf32, #tpu.memory_space<vmem_shared>>) target_semaphore(%run_scoped3A : memref<!tpu.dma_semaphore, #tpu.memory_space<semaphore_mem>>)
      %dma_wait3A_52 = arith.constant 0 : i32
      %dma_wait3A_53 = tpu.memref_slice %arg7[%mul3A_4, %dma_wait3A_52] : memref<10240x128xf32, #tpu.memory_space<vmem_shared>> -> memref<640x128xf32, #tpu.memory_space<vmem_shared>>
      %dma_wait3A_54 = arith.constant 0 : i32
      %dma_wait3A_55 = tpu.memref_slice %arg5[%mul3A_2, %dma_wait3A_54] : memref<10240x128xf32, #tpu.memory_space<hbm>> -> memref<640x128xf32, #tpu.memory_space<hbm>>
      tpu.wait_dma2 semaphore(%run_scoped3A : memref<!tpu.dma_semaphore, #tpu.memory_space<semaphore_mem>>) src(%dma_wait3A_55 : memref<640x128xf32, #tpu.memory_space<hbm>>) dst(%dma_wait3A_53 : memref<640x128xf32, #tpu.memory_space<vmem_shared>>)
      tpu.yield
    }) : () -> ()
    %barrier3A = arith.constant 0 : index
    tpu.barrier barrier_id(%barrier3A)
    %add3A = arith.constant 0 : i32
    %add3A_5 = arith.addi %mul3A_0, %add3A : i32
    %dma_start3A = tpu.memref_slice %arg3[%add3A_5] : memref<327680xi32, #tpu.memory_space<hbm>> -> memref<128xi32, #tpu.memory_space<hbm>>
    %dma_start3A_6 = tpu.memref_slice %arg3[%add3A_5] : memref<327680xi32, #tpu.memory_space<hbm>> -> memref<128xi32, #tpu.memory_space<hbm>>
    tpu.enqueue_dma source(%dma_start3A_6 : memref<128xi32, #tpu.memory_space<hbm>>) target(%arg8 : memref<128xi32, #tpu.memory_space<vmem>>) target_semaphore(%arg14 : memref<!tpu.dma_semaphore, #tpu.memory_space<semaphore_mem>>)
    %dma_start3A_7 = tpu.memref_slice %arg4[%add3A_5] : memref<327680xi32, #tpu.memory_space<hbm>> -> memref<128xi32, #tpu.memory_space<hbm>>
    %dma_start3A_8 = tpu.memref_slice %arg4[%add3A_5] : memref<327680xi32, #tpu.memory_space<hbm>> -> memref<128xi32, #tpu.memory_space<hbm>>
    tpu.enqueue_dma source(%dma_start3A_8 : memref<128xi32, #tpu.memory_space<hbm>>) target(%arg10 : memref<128xi32, #tpu.memory_space<vmem>>) target_semaphore(%arg14 : memref<!tpu.dma_semaphore, #tpu.memory_space<semaphore_mem>>)
    %add3A_9 = arith.constant 0 : i32
    %add3A_10 = arith.addi %mul3A_0, %add3A_9 : i32
    %dma_wait3A = tpu.memref_slice %arg3[%add3A_10] : memref<327680xi32, #tpu.memory_space<hbm>> -> memref<128xi32, #tpu.memory_space<hbm>>
    %dma_wait3A_11 = tpu.memref_slice %arg3[%add3A_10] : memref<327680xi32, #tpu.memory_space<hbm>> -> memref<128xi32, #tpu.memory_space<hbm>>
    tpu.wait_dma2 semaphore(%arg14 : memref<!tpu.dma_semaphore, #tpu.memory_space<semaphore_mem>>) src(%dma_wait3A_11 : memref<128xi32, #tpu.memory_space<hbm>>) dst(%arg8 : memref<128xi32, #tpu.memory_space<vmem>>)
    %dma_wait3A_12 = tpu.memref_slice %arg4[%add3A_10] : memref<327680xi32, #tpu.memory_space<hbm>> -> memref<128xi32, #tpu.memory_space<hbm>>
    %dma_wait3A_13 = tpu.memref_slice %arg4[%add3A_10] : memref<327680xi32, #tpu.memory_space<hbm>> -> memref<128xi32, #tpu.memory_space<hbm>>
    tpu.wait_dma2 semaphore(%arg14 : memref<!tpu.dma_semaphore, #tpu.memory_space<semaphore_mem>>) src(%dma_wait3A_13 : memref<128xi32, #tpu.memory_space<hbm>>) dst(%arg10 : memref<128xi32, #tpu.memory_space<vmem>>)
    %dma_start3A_14 = arith.constant 0 : i32
    %dma_start3A_15 = arith.constant 0 : i32
    %dma_start3A_16 = tpu.memref_slice %arg2[%dma_start3A_14, %dma_start3A_15] : memref<10240x128xf32, #tpu.memory_space<hbm>> -> memref<10240x128xf32, #tpu.memory_space<hbm>>
    tpu.enqueue_indirect_dma source(%dma_start3A_16 : memref<10240x128xf32, #tpu.memory_space<hbm>>) target(%arg12 : memref<128x128xf32, #tpu.memory_space<vmem>>) offsets(%arg8 : memref<128xi32, #tpu.memory_space<vmem>>) semaphore(%arg16 : memref<!tpu.dma_semaphore, #tpu.memory_space<semaphore_mem>>)
    %add3A_17 = arith.constant 128 : i32
    %add3A_18 = arith.addi %mul3A_0, %add3A_17 : i32
    %dma_start3A_19 = tpu.memref_slice %arg3[%add3A_18] : memref<327680xi32, #tpu.memory_space<hbm>> -> memref<128xi32, #tpu.memory_space<hbm>>
    %dma_start3A_20 = tpu.memref_slice %arg3[%add3A_18] : memref<327680xi32, #tpu.memory_space<hbm>> -> memref<128xi32, #tpu.memory_space<hbm>>
    tpu.enqueue_dma source(%dma_start3A_20 : memref<128xi32, #tpu.memory_space<hbm>>) target(%arg9 : memref<128xi32, #tpu.memory_space<vmem>>) target_semaphore(%arg15 : memref<!tpu.dma_semaphore, #tpu.memory_space<semaphore_mem>>)
    %dma_start3A_21 = tpu.memref_slice %arg4[%add3A_18] : memref<327680xi32, #tpu.memory_space<hbm>> -> memref<128xi32, #tpu.memory_space<hbm>>
    %dma_start3A_22 = tpu.memref_slice %arg4[%add3A_18] : memref<327680xi32, #tpu.memory_space<hbm>> -> memref<128xi32, #tpu.memory_space<hbm>>
    tpu.enqueue_dma source(%dma_start3A_22 : memref<128xi32, #tpu.memory_space<hbm>>) target(%arg11 : memref<128xi32, #tpu.memory_space<vmem>>) target_semaphore(%arg15 : memref<!tpu.dma_semaphore, #tpu.memory_space<semaphore_mem>>)
    %scan3A = arith.constant 0 : i32
    %scan3A_23 = arith.constant 0 : i32
    %scan3A_24 = arith.constant 79 : i32
    %scan3A_25 = arith.addi %scan3A_23, %scan3A_24 : i32
    %scan3A_26 = arith.constant 1 : i32
    scf.for %scan3A_48 = %scan3A_23 to %scan3A_25 step %scan3A_26  : i32 {
      %mul3A_49 = arith.constant 2 : i32
      %mul3A_50 = arith.muli %mul3A_49, %scan3A_48 : i32
      %dma_wait3A_51 = arith.constant 0 : i32
      %dma_wait3A_52 = arith.constant 0 : i32
      %dma_wait3A_53 = tpu.memref_slice %arg2[%dma_wait3A_51, %dma_wait3A_52] : memref<10240x128xf32, #tpu.memory_space<hbm>> -> memref<10240x128xf32, #tpu.memory_space<hbm>>
      tpu.wait_indirect_dma semaphore(%arg16 : memref<!tpu.dma_semaphore, #tpu.memory_space<semaphore_mem>>) src(%dma_wait3A_53 : memref<10240x128xf32, #tpu.memory_space<hbm>>) dst(%arg12 : memref<128x128xf32, #tpu.memory_space<vmem>>)
      %add3A_54 = arith.constant 2 : i32
      %add3A_55 = arith.addi %mul3A_50, %add3A_54 : i32
      %mul3A_56 = arith.constant 128 : i32
      %mul3A_57 = arith.muli %add3A_55, %mul3A_56 : i32
      %add3A_58 = arith.addi %mul3A_0, %mul3A_57 : i32
      %dma_start3A_59 = tpu.memref_slice %arg3[%add3A_58] : memref<327680xi32, #tpu.memory_space<hbm>> -> memref<128xi32, #tpu.memory_space<hbm>>
      %dma_start3A_60 = tpu.memref_slice %arg3[%add3A_58] : memref<327680xi32, #tpu.memory_space<hbm>> -> memref<128xi32, #tpu.memory_space<hbm>>
      tpu.enqueue_dma source(%dma_start3A_60 : memref<128xi32, #tpu.memory_space<hbm>>) target(%arg8 : memref<128xi32, #tpu.memory_space<vmem>>) target_semaphore(%arg14 : memref<!tpu.dma_semaphore, #tpu.memory_space<semaphore_mem>>)
      %dma_start3A_61 = tpu.memref_slice %arg4[%add3A_58] : memref<327680xi32, #tpu.memory_space<hbm>> -> memref<128xi32, #tpu.memory_space<hbm>>
      %dma_start3A_62 = tpu.memref_slice %arg4[%add3A_58] : memref<327680xi32, #tpu.memory_space<hbm>> -> memref<128xi32, #tpu.memory_space<hbm>>
      tpu.enqueue_dma source(%dma_start3A_62 : memref<128xi32, #tpu.memory_space<hbm>>) target(%arg10 : memref<128xi32, #tpu.memory_space<vmem>>) target_semaphore(%arg14 : memref<!tpu.dma_semaphore, #tpu.memory_space<semaphore_mem>>)
      %add3A_63 = arith.constant 1 : i32
      %add3A_64 = arith.addi %mul3A_50, %add3A_63 : i32
      %mul3A_65 = arith.constant 128 : i32
      %mul3A_66 = arith.muli %add3A_64, %mul3A_65 : i32
      %add3A_67 = arith.addi %mul3A_0, %mul3A_66 : i32
      %dma_wait3A_68 = tpu.memref_slice %arg3[%add3A_67] : memref<327680xi32, #tpu.memory_space<hbm>> -> memref<128xi32, #tpu.memory_space<hbm>>
      %dma_wait3A_69 = tpu.memref_slice %arg3[%add3A_67] : memref<327680xi32, #tpu.memory_space<hbm>> -> memref<128xi32, #tpu.memory_space<hbm>>
      tpu.wait_dma2 semaphore(%arg15 : memref<!tpu.dma_semaphore, #tpu.memory_space<semaphore_mem>>) src(%dma_wait3A_69 : memref<128xi32, #tpu.memory_space<hbm>>) dst(%arg9 : memref<128xi32, #tpu.memory_space<vmem>>)
      %dma_wait3A_70 = tpu.memref_slice %arg4[%add3A_67] : memref<327680xi32, #tpu.memory_space<hbm>> -> memref<128xi32, #tpu.memory_space<hbm>>
      %dma_wait3A_71 = tpu.memref_slice %arg4[%add3A_67] : memref<327680xi32, #tpu.memory_space<hbm>> -> memref<128xi32, #tpu.memory_space<hbm>>
      tpu.wait_dma2 semaphore(%arg15 : memref<!tpu.dma_semaphore, #tpu.memory_space<semaphore_mem>>) src(%dma_wait3A_71 : memref<128xi32, #tpu.memory_space<hbm>>) dst(%arg11 : memref<128xi32, #tpu.memory_space<vmem>>)
      %dma_start3A_72 = arith.constant 0 : i32
      %dma_start3A_73 = arith.constant 0 : i32
      %dma_start3A_74 = tpu.memref_slice %arg2[%dma_start3A_72, %dma_start3A_73] : memref<10240x128xf32, #tpu.memory_space<hbm>> -> memref<10240x128xf32, #tpu.memory_space<hbm>>
      tpu.enqueue_indirect_dma source(%dma_start3A_74 : memref<10240x128xf32, #tpu.memory_space<hbm>>) target(%arg13 : memref<128x128xf32, #tpu.memory_space<vmem>>) offsets(%arg9 : memref<128xi32, #tpu.memory_space<vmem>>) semaphore(%arg17 : memref<!tpu.dma_semaphore, #tpu.memory_space<semaphore_mem>>)
      "tpu.region"() ({
        %run_scoped3A = tpu.sem_alloc : memref<!tpu.dma_semaphore, #tpu.memory_space<semaphore_mem>>
        %dma_start3A_99 = arith.constant 0 : i32
        %dma_start3A_100 = arith.constant 0 : i32
        %dma_start3A_101 = tpu.memref_slice %arg7[%dma_start3A_99, %dma_start3A_100] : memref<10240x128xf32, #tpu.memory_space<vmem_shared>> -> memref<10240x128xf32, #tpu.memory_space<vmem_shared>>
        tpu.enqueue_indirect_dma source(%arg12 : memref<128x128xf32, #tpu.memory_space<vmem>>) target(%dma_start3A_101 : memref<10240x128xf32, #tpu.memory_space<vmem_shared>>) offsets(%arg10 : memref<128xi32, #tpu.memory_space<vmem>>) semaphore(%run_scoped3A : memref<!tpu.dma_semaphore, #tpu.memory_space<semaphore_mem>>) {add = true}
        %dma_wait3A_102 = arith.constant 0 : i32
        %dma_wait3A_103 = arith.constant 0 : i32
        %dma_wait3A_104 = tpu.memref_slice %arg7[%dma_wait3A_102, %dma_wait3A_103] : memref<10240x128xf32, #tpu.memory_space<vmem_shared>> -> memref<10240x128xf32, #tpu.memory_space<vmem_shared>>
        tpu.wait_indirect_dma semaphore(%run_scoped3A : memref<!tpu.dma_semaphore, #tpu.memory_space<semaphore_mem>>) src(%arg12 : memref<128x128xf32, #tpu.memory_space<vmem>>) dst(%dma_wait3A_104 : memref<10240x128xf32, #tpu.memory_space<vmem_shared>>)
        tpu.yield
      }) : () -> ()
      %dma_wait3A_75 = arith.constant 0 : i32
      %dma_wait3A_76 = arith.constant 0 : i32
      %dma_wait3A_77 = tpu.memref_slice %arg2[%dma_wait3A_75, %dma_wait3A_76] : memref<10240x128xf32, #tpu.memory_space<hbm>> -> memref<10240x128xf32, #tpu.memory_space<hbm>>
      tpu.wait_indirect_dma semaphore(%arg17 : memref<!tpu.dma_semaphore, #tpu.memory_space<semaphore_mem>>) src(%dma_wait3A_77 : memref<10240x128xf32, #tpu.memory_space<hbm>>) dst(%arg13 : memref<128x128xf32, #tpu.memory_space<vmem>>)
      %add3A_78 = arith.constant 3 : i32
      %add3A_79 = arith.addi %mul3A_50, %add3A_78 : i32
      %mul3A_80 = arith.constant 128 : i32
      %mul3A_81 = arith.muli %add3A_79, %mul3A_80 : i32
      %add3A_82 = arith.addi %mul3A_0, %mul3A_81 : i32
      %dma_start3A_83 = tpu.memref_slice %arg3[%add3A_82] : memref<327680xi32, #tpu.memory_space<hbm>> -> memref<128xi32, #tpu.memory_space<hbm>>
      %dma_start3A_84 = tpu.memref_slice %arg3[%add3A_82] : memref<327680xi32, #tpu.memory_space<hbm>> -> memref<128xi32, #tpu.memory_space<hbm>>
      tpu.enqueue_dma source(%dma_start3A_84 : memref<128xi32, #tpu.memory_space<hbm>>) target(%arg9 : memref<128xi32, #tpu.memory_space<vmem>>) target_semaphore(%arg15 : memref<!tpu.dma_semaphore, #tpu.memory_space<semaphore_mem>>)
      %dma_start3A_85 = tpu.memref_slice %arg4[%add3A_82] : memref<327680xi32, #tpu.memory_space<hbm>> -> memref<128xi32, #tpu.memory_space<hbm>>
      %dma_start3A_86 = tpu.memref_slice %arg4[%add3A_82] : memref<327680xi32, #tpu.memory_space<hbm>> -> memref<128xi32, #tpu.memory_space<hbm>>
      tpu.enqueue_dma source(%dma_start3A_86 : memref<128xi32, #tpu.memory_space<hbm>>) target(%arg11 : memref<128xi32, #tpu.memory_space<vmem>>) target_semaphore(%arg15 : memref<!tpu.dma_semaphore, #tpu.memory_space<semaphore_mem>>)
      %add3A_87 = arith.constant 2 : i32
      %add3A_88 = arith.addi %mul3A_50, %add3A_87 : i32
      %mul3A_89 = arith.constant 128 : i32
      %mul3A_90 = arith.muli %add3A_88, %mul3A_89 : i32
      %add3A_91 = arith.addi %mul3A_0, %mul3A_90 : i32
      %dma_wait3A_92 = tpu.memref_slice %arg3[%add3A_91] : memref<327680xi32, #tpu.memory_space<hbm>> -> memref<128xi32, #tpu.memory_space<hbm>>
      %dma_wait3A_93 = tpu.memref_slice %arg3[%add3A_91] : memref<327680xi32, #tpu.memory_space<hbm>> -> memref<128xi32, #tpu.memory_space<hbm>>
      tpu.wait_dma2 semaphore(%arg14 : memref<!tpu.dma_semaphore, #tpu.memory_space<semaphore_mem>>) src(%dma_wait3A_93 : memref<128xi32, #tpu.memory_space<hbm>>) dst(%arg8 : memref<128xi32, #tpu.memory_space<vmem>>)
      %dma_wait3A_94 = tpu.memref_slice %arg4[%add3A_91] : memref<327680xi32, #tpu.memory_space<hbm>> -> memref<128xi32, #tpu.memory_space<hbm>>
      %dma_wait3A_95 = tpu.memref_slice %arg4[%add3A_91] : memref<327680xi32, #tpu.memory_space<hbm>> -> memref<128xi32, #tpu.memory_space<hbm>>
      tpu.wait_dma2 semaphore(%arg14 : memref<!tpu.dma_semaphore, #tpu.memory_space<semaphore_mem>>) src(%dma_wait3A_95 : memref<128xi32, #tpu.memory_space<hbm>>) dst(%arg10 : memref<128xi32, #tpu.memory_space<vmem>>)
      %dma_start3A_96 = arith.constant 0 : i32
      %dma_start3A_97 = arith.constant 0 : i32
      %dma_start3A_98 = tpu.memref_slice %arg2[%dma_start3A_96, %dma_start3A_97] : memref<10240x128xf32, #tpu.memory_space<hbm>> -> memref<10240x128xf32, #tpu.memory_space<hbm>>
      tpu.enqueue_indirect_dma source(%dma_start3A_98 : memref<10240x128xf32, #tpu.memory_space<hbm>>) target(%arg12 : memref<128x128xf32, #tpu.memory_space<vmem>>) offsets(%arg8 : memref<128xi32, #tpu.memory_space<vmem>>) semaphore(%arg16 : memref<!tpu.dma_semaphore, #tpu.memory_space<semaphore_mem>>)
      "tpu.region"() ({
        %run_scoped3A = tpu.sem_alloc : memref<!tpu.dma_semaphore, #tpu.memory_space<semaphore_mem>>
        %dma_start3A_99 = arith.constant 0 : i32
        %dma_start3A_100 = arith.constant 0 : i32
        %dma_start3A_101 = tpu.memref_slice %arg7[%dma_start3A_99, %dma_start3A_100] : memref<10240x128xf32, #tpu.memory_space<vmem_shared>> -> memref<10240x128xf32, #tpu.memory_space<vmem_shared>>
        tpu.enqueue_indirect_dma source(%arg13 : memref<128x128xf32, #tpu.memory_space<vmem>>) target(%dma_start3A_101 : memref<10240x128xf32, #tpu.memory_space<vmem_shared>>) offsets(%arg11 : memref<128xi32, #tpu.memory_space<vmem>>) semaphore(%run_scoped3A : memref<!tpu.dma_semaphore, #tpu.memory_space<semaphore_mem>>) {add = true}
        %dma_wait3A_102 = arith.constant 0 : i32
        %dma_wait3A_103 = arith.constant 0 : i32
        %dma_wait3A_104 = tpu.memref_slice %arg7[%dma_wait3A_102, %dma_wait3A_103] : memref<10240x128xf32, #tpu.memory_space<vmem_shared>> -> memref<10240x128xf32, #tpu.memory_space<vmem_shared>>
        tpu.wait_indirect_dma semaphore(%run_scoped3A : memref<!tpu.dma_semaphore, #tpu.memory_space<semaphore_mem>>) src(%arg13 : memref<128x128xf32, #tpu.memory_space<vmem>>) dst(%dma_wait3A_104 : memref<10240x128xf32, #tpu.memory_space<vmem_shared>>)
        tpu.yield
      }) : () -> ()
    }
    %scan3A_27 = arith.constant 79 : i32
    %dma_wait3A_28 = arith.constant 0 : i32
    %dma_wait3A_29 = arith.constant 0 : i32
    %dma_wait3A_30 = tpu.memref_slice %arg2[%dma_wait3A_28, %dma_wait3A_29] : memref<10240x128xf32, #tpu.memory_space<hbm>> -> memref<10240x128xf32, #tpu.memory_space<hbm>>
    tpu.wait_indirect_dma semaphore(%arg16 : memref<!tpu.dma_semaphore, #tpu.memory_space<semaphore_mem>>) src(%dma_wait3A_30 : memref<10240x128xf32, #tpu.memory_space<hbm>>) dst(%arg12 : memref<128x128xf32, #tpu.memory_space<vmem>>)
    %add3A_31 = arith.constant 20352 : i32
    %add3A_32 = arith.addi %mul3A_0, %add3A_31 : i32
    %dma_wait3A_33 = tpu.memref_slice %arg3[%add3A_32] : memref<327680xi32, #tpu.memory_space<hbm>> -> memref<128xi32, #tpu.memory_space<hbm>>
    %dma_wait3A_34 = tpu.memref_slice %arg3[%add3A_32] : memref<327680xi32, #tpu.memory_space<hbm>> -> memref<128xi32, #tpu.memory_space<hbm>>
    tpu.wait_dma2 semaphore(%arg15 : memref<!tpu.dma_semaphore, #tpu.memory_space<semaphore_mem>>) src(%dma_wait3A_34 : memref<128xi32, #tpu.memory_space<hbm>>) dst(%arg9 : memref<128xi32, #tpu.memory_space<vmem>>)
    %dma_wait3A_35 = tpu.memref_slice %arg4[%add3A_32] : memref<327680xi32, #tpu.memory_space<hbm>> -> memref<128xi32, #tpu.memory_space<hbm>>
    %dma_wait3A_36 = tpu.memref_slice %arg4[%add3A_32] : memref<327680xi32, #tpu.memory_space<hbm>> -> memref<128xi32, #tpu.memory_space<hbm>>
    tpu.wait_dma2 semaphore(%arg15 : memref<!tpu.dma_semaphore, #tpu.memory_space<semaphore_mem>>) src(%dma_wait3A_36 : memref<128xi32, #tpu.memory_space<hbm>>) dst(%arg11 : memref<128xi32, #tpu.memory_space<vmem>>)
    %dma_start3A_37 = arith.constant 0 : i32
    %dma_start3A_38 = arith.constant 0 : i32
    %dma_start3A_39 = tpu.memref_slice %arg2[%dma_start3A_37, %dma_start3A_38] : memref<10240x128xf32, #tpu.memory_space<hbm>> -> memref<10240x128xf32, #tpu.memory_space<hbm>>
    tpu.enqueue_indirect_dma source(%dma_start3A_39 : memref<10240x128xf32, #tpu.memory_space<hbm>>) target(%arg13 : memref<128x128xf32, #tpu.memory_space<vmem>>) offsets(%arg9 : memref<128xi32, #tpu.memory_space<vmem>>) semaphore(%arg17 : memref<!tpu.dma_semaphore, #tpu.memory_space<semaphore_mem>>)
    "tpu.region"() ({
      %run_scoped3A = tpu.sem_alloc : memref<!tpu.dma_semaphore, #tpu.memory_space<semaphore_mem>>
      %dma_start3A_48 = arith.constant 0 : i32
      %dma_start3A_49 = arith.constant 0 : i32
      %dma_start3A_50 = tpu.memref_slice %arg7[%dma_start3A_48, %dma_start3A_49] : memref<10240x128xf32, #tpu.memory_space<vmem_shared>> -> memref<10240x128xf32, #tpu.memory_space<vmem_shared>>
      tpu.enqueue_indirect_dma source(%arg12 : memref<128x128xf32, #tpu.memory_space<vmem>>) target(%dma_start3A_50 : memref<10240x128xf32, #tpu.memory_space<vmem_shared>>) offsets(%arg10 : memref<128xi32, #tpu.memory_space<vmem>>) semaphore(%run_scoped3A : memref<!tpu.dma_semaphore, #tpu.memory_space<semaphore_mem>>) {add = true}
      %dma_wait3A_51 = arith.constant 0 : i32
      %dma_wait3A_52 = arith.constant 0 : i32
      %dma_wait3A_53 = tpu.memref_slice %arg7[%dma_wait3A_51, %dma_wait3A_52] : memref<10240x128xf32, #tpu.memory_space<vmem_shared>> -> memref<10240x128xf32, #tpu.memory_space<vmem_shared>>
      tpu.wait_indirect_dma semaphore(%run_scoped3A : memref<!tpu.dma_semaphore, #tpu.memory_space<semaphore_mem>>) src(%arg12 : memref<128x128xf32, #tpu.memory_space<vmem>>) dst(%dma_wait3A_53 : memref<10240x128xf32, #tpu.memory_space<vmem_shared>>)
      tpu.yield
    }) : () -> ()
    %dma_wait3A_40 = arith.constant 0 : i32
    %dma_wait3A_41 = arith.constant 0 : i32
    %dma_wait3A_42 = tpu.memref_slice %arg2[%dma_wait3A_40, %dma_wait3A_41] : memref<10240x128xf32, #tpu.memory_space<hbm>> -> memref<10240x128xf32, #tpu.memory_space<hbm>>
    tpu.wait_indirect_dma semaphore(%arg17 : memref<!tpu.dma_semaphore, #tpu.memory_space<semaphore_mem>>) src(%dma_wait3A_42 : memref<10240x128xf32, #tpu.memory_space<hbm>>) dst(%arg13 : memref<128x128xf32, #tpu.memory_space<vmem>>)
    "tpu.region"() ({
      %run_scoped3A = tpu.sem_alloc : memref<!tpu.dma_semaphore, #tpu.memory_space<semaphore_mem>>
      %dma_start3A_48 = arith.constant 0 : i32
      %dma_start3A_49 = arith.constant 0 : i32
      %dma_start3A_50 = tpu.memref_slice %arg7[%dma_start3A_48, %dma_start3A_49] : memref<10240x128xf32, #tpu.memory_space<vmem_shared>> -> memref<10240x128xf32, #tpu.memory_space<vmem_shared>>
      tpu.enqueue_indirect_dma source(%arg13 : memref<128x128xf32, #tpu.memory_space<vmem>>) target(%dma_start3A_50 : memref<10240x128xf32, #tpu.memory_space<vmem_shared>>) offsets(%arg11 : memref<128xi32, #tpu.memory_space<vmem>>) semaphore(%run_scoped3A : memref<!tpu.dma_semaphore, #tpu.memory_space<semaphore_mem>>) {add = true}
      %dma_wait3A_51 = arith.constant 0 : i32
      %dma_wait3A_52 = arith.constant 0 : i32
      %dma_wait3A_53 = tpu.memref_slice %arg7[%dma_wait3A_51, %dma_wait3A_52] : memref<10240x128xf32, #tpu.memory_space<vmem_shared>> -> memref<10240x128xf32, #tpu.memory_space<vmem_shared>>
      tpu.wait_indirect_dma semaphore(%run_scoped3A : memref<!tpu.dma_semaphore, #tpu.memory_space<semaphore_mem>>) src(%arg13 : memref<128x128xf32, #tpu.memory_space<vmem>>) dst(%dma_wait3A_53 : memref<10240x128xf32, #tpu.memory_space<vmem_shared>>)
      tpu.yield
    }) : () -> ()
    %barrier3A_43 = arith.constant 0 : index
    tpu.barrier barrier_id(%barrier3A_43)
    %mul3A_44 = arith.constant 640 : i32
    %mul3A_45 = arith.muli %arg1, %mul3A_44 : i32
    %mul3A_46 = arith.constant 640 : i32
    %mul3A_47 = arith.muli %arg1, %mul3A_46 : i32
    "tpu.region"() ({
      %run_scoped3A = tpu.sem_alloc : memref<!tpu.dma_semaphore, #tpu.memory_space<semaphore_mem>>
      %dma_start3A_48 = arith.constant 0 : i32
      %dma_start3A_49 = tpu.memref_slice %arg6[%mul3A_47, %dma_start3A_48] : memref<10240x128xf32, #tpu.memory_space<hbm>> -> memref<640x128xf32, #tpu.memory_space<hbm>>
      %dma_start3A_50 = arith.constant 0 : i32
      %dma_start3A_51 = tpu.memref_slice %arg7[%mul3A_45, %dma_start3A_50] : memref<10240x128xf32, #tpu.memory_space<vmem_shared>> -> memref<640x128xf32, #tpu.memory_space<vmem_shared>>
      tpu.enqueue_dma source(%dma_start3A_51 : memref<640x128xf32, #tpu.memory_space<vmem_shared>>) target(%dma_start3A_49 : memref<640x128xf32, #tpu.memory_space<hbm>>) target_semaphore(%run_scoped3A : memref<!tpu.dma_semaphore, #tpu.memory_space<semaphore_mem>>)
      %dma_wait3A_52 = arith.constant 0 : i32
      %dma_wait3A_53 = tpu.memref_slice %arg6[%mul3A_47, %dma_wait3A_52] : memref<10240x128xf32, #tpu.memory_space<hbm>> -> memref<640x128xf32, #tpu.memory_space<hbm>>
      %dma_wait3A_54 = arith.constant 0 : i32
      %dma_wait3A_55 = tpu.memref_slice %arg7[%mul3A_45, %dma_wait3A_54] : memref<10240x128xf32, #tpu.memory_space<vmem_shared>> -> memref<640x128xf32, #tpu.memory_space<vmem_shared>>
      tpu.wait_dma2 semaphore(%run_scoped3A : memref<!tpu.dma_semaphore, #tpu.memory_space<semaphore_mem>>) src(%dma_wait3A_55 : memref<640x128xf32, #tpu.memory_space<vmem_shared>>) dst(%dma_wait3A_53 : memref<640x128xf32, #tpu.memory_space<hbm>>)
      tpu.yield
    }) : () -> ()
    return
  }
}

#map = affine_map<(d0, d1) -> (0, 0)>
#map1 = affine_map<(d0, d1) -> (0)>
module attributes {stable_mosaic.version = 14 : i64} {
  func.func @_sc_aggregate(%arg0: i32, %arg1: i32, %arg2: memref<10240x128xf32, #tpu.memory_space<hbm>>, %arg3: memref<327680xi32, #tpu.memory_space<hbm>>, %arg4: memref<327680xi32, #tpu.memory_space<hbm>>, %arg5: memref<10240x128xf32, #tpu.memory_space<hbm>>, %arg6: memref<10240x128xf32, #tpu.memory_space<hbm>>, %arg7: memref<10240x128xf32, #tpu.memory_space<vmem_shared>>, %arg8: memref<128xi32, #tpu.memory_space<vmem>>, %arg9: memref<128xi32, #tpu.memory_space<vmem>>, %arg10: memref<128xi32, #tpu.memory_space<vmem>>, %arg11: memref<128xi32, #tpu.memory_space<vmem>>, %arg12: memref<128x128xf32, #tpu.memory_space<vmem>>, %arg13: memref<128x128xf32, #tpu.memory_space<vmem>>, %arg14: memref<!tpu.dma_semaphore, #tpu.memory_space<semaphore_mem>>, %arg15: memref<!tpu.dma_semaphore, #tpu.memory_space<semaphore_mem>>, %arg16: memref<!tpu.dma_semaphore, #tpu.memory_space<semaphore_mem>>, %arg17: memref<!tpu.dma_semaphore, #tpu.memory_space<semaphore_mem>>) attributes {dimension_semantics = [#tpu.dimension_semantics<core_parallel>, #tpu.dimension_semantics<subcore_parallel>], iteration_bounds = array<i64: 1, 16>, scalar_prefetch = 0 : i64, scratch_operands = 11 : i64, tpu.core_type = #tpu.core_type<sc_vector_subcore>, window_params = [{transform_indices = #map}, {transform_indices = #map1}, {transform_indices = #map1}, {transform_indices = #map}, {transform_indices = #map}]} {
    %mul3A = arith.constant 20480 : i32
    %mul3A_0 = arith.muli %arg1, %mul3A : i32
    %mul3A_1 = arith.constant 640 : i32
    %mul3A_2 = arith.muli %arg1, %mul3A_1 : i32
    %mul3A_3 = arith.constant 640 : i32
    %mul3A_4 = arith.muli %arg1, %mul3A_3 : i32
    "tpu.region"() ({
      %run_scoped3A = tpu.sem_alloc : memref<!tpu.dma_semaphore, #tpu.memory_space<semaphore_mem>>
      %dma_start3A_48 = arith.constant 0 : i32
      %dma_start3A_49 = tpu.memref_slice %arg7[%mul3A_4, %dma_start3A_48] : memref<10240x128xf32, #tpu.memory_space<vmem_shared>> -> memref<640x128xf32, #tpu.memory_space<vmem_shared>>
      %dma_start3A_50 = arith.constant 0 : i32
      %dma_start3A_51 = tpu.memref_slice %arg5[%mul3A_2, %dma_start3A_50] : memref<10240x128xf32, #tpu.memory_space<hbm>> -> memref<640x128xf32, #tpu.memory_space<hbm>>
      tpu.enqueue_dma source(%dma_start3A_51 : memref<640x128xf32, #tpu.memory_space<hbm>>) target(%dma_start3A_49 : memref<640x128xf32, #tpu.memory_space<vmem_shared>>) target_semaphore(%run_scoped3A : memref<!tpu.dma_semaphore, #tpu.memory_space<semaphore_mem>>)
      %dma_wait3A_52 = arith.constant 0 : i32
      %dma_wait3A_53 = tpu.memref_slice %arg7[%mul3A_4, %dma_wait3A_52] : memref<10240x128xf32, #tpu.memory_space<vmem_shared>> -> memref<640x128xf32, #tpu.memory_space<vmem_shared>>
      %dma_wait3A_54 = arith.constant 0 : i32
      %dma_wait3A_55 = tpu.memref_slice %arg5[%mul3A_2, %dma_wait3A_54] : memref<10240x128xf32, #tpu.memory_space<hbm>> -> memref<640x128xf32, #tpu.memory_space<hbm>>
      tpu.wait_dma2 semaphore(%run_scoped3A : memref<!tpu.dma_semaphore, #tpu.memory_space<semaphore_mem>>) src(%dma_wait3A_55 : memref<640x128xf32, #tpu.memory_space<hbm>>) dst(%dma_wait3A_53 : memref<640x128xf32, #tpu.memory_space<vmem_shared>>)
      tpu.yield
    }) : () -> ()
    %barrier3A = arith.constant 0 : index
    tpu.barrier barrier_id(%barrier3A)
    %add3A = arith.constant 0 : i32
    %add3A_5 = arith.addi %mul3A_0, %add3A : i32
    %dma_start3A = tpu.memref_slice %arg3[%add3A_5] : memref<327680xi32, #tpu.memory_space<hbm>> -> memref<128xi32, #tpu.memory_space<hbm>>
    %dma_start3A_6 = tpu.memref_slice %arg3[%add3A_5] : memref<327680xi32, #tpu.memory_space<hbm>> -> memref<128xi32, #tpu.memory_space<hbm>>
    tpu.enqueue_dma source(%dma_start3A_6 : memref<128xi32, #tpu.memory_space<hbm>>) target(%arg8 : memref<128xi32, #tpu.memory_space<vmem>>) target_semaphore(%arg14 : memref<!tpu.dma_semaphore, #tpu.memory_space<semaphore_mem>>)
    %dma_start3A_7 = tpu.memref_slice %arg4[%add3A_5] : memref<327680xi32, #tpu.memory_space<hbm>> -> memref<128xi32, #tpu.memory_space<hbm>>
    %dma_start3A_8 = tpu.memref_slice %arg4[%add3A_5] : memref<327680xi32, #tpu.memory_space<hbm>> -> memref<128xi32, #tpu.memory_space<hbm>>
    tpu.enqueue_dma source(%dma_start3A_8 : memref<128xi32, #tpu.memory_space<hbm>>) target(%arg10 : memref<128xi32, #tpu.memory_space<vmem>>) target_semaphore(%arg14 : memref<!tpu.dma_semaphore, #tpu.memory_space<semaphore_mem>>)
    %add3A_9 = arith.constant 0 : i32
    %add3A_10 = arith.addi %mul3A_0, %add3A_9 : i32
    %dma_wait3A = tpu.memref_slice %arg3[%add3A_10] : memref<327680xi32, #tpu.memory_space<hbm>> -> memref<128xi32, #tpu.memory_space<hbm>>
    %dma_wait3A_11 = tpu.memref_slice %arg3[%add3A_10] : memref<327680xi32, #tpu.memory_space<hbm>> -> memref<128xi32, #tpu.memory_space<hbm>>
    tpu.wait_dma2 semaphore(%arg14 : memref<!tpu.dma_semaphore, #tpu.memory_space<semaphore_mem>>) src(%dma_wait3A_11 : memref<128xi32, #tpu.memory_space<hbm>>) dst(%arg8 : memref<128xi32, #tpu.memory_space<vmem>>)
    %dma_wait3A_12 = tpu.memref_slice %arg4[%add3A_10] : memref<327680xi32, #tpu.memory_space<hbm>> -> memref<128xi32, #tpu.memory_space<hbm>>
    %dma_wait3A_13 = tpu.memref_slice %arg4[%add3A_10] : memref<327680xi32, #tpu.memory_space<hbm>> -> memref<128xi32, #tpu.memory_space<hbm>>
    tpu.wait_dma2 semaphore(%arg14 : memref<!tpu.dma_semaphore, #tpu.memory_space<semaphore_mem>>) src(%dma_wait3A_13 : memref<128xi32, #tpu.memory_space<hbm>>) dst(%arg10 : memref<128xi32, #tpu.memory_space<vmem>>)
    %dma_start3A_14 = arith.constant 0 : i32
    %dma_start3A_15 = arith.constant 0 : i32
    %dma_start3A_16 = tpu.memref_slice %arg2[%dma_start3A_14, %dma_start3A_15] : memref<10240x128xf32, #tpu.memory_space<hbm>> -> memref<10240x128xf32, #tpu.memory_space<hbm>>
    tpu.enqueue_indirect_dma source(%dma_start3A_16 : memref<10240x128xf32, #tpu.memory_space<hbm>>) target(%arg12 : memref<128x128xf32, #tpu.memory_space<vmem>>) offsets(%arg8 : memref<128xi32, #tpu.memory_space<vmem>>) semaphore(%arg16 : memref<!tpu.dma_semaphore, #tpu.memory_space<semaphore_mem>>)
    %add3A_17 = arith.constant 128 : i32
    %add3A_18 = arith.addi %mul3A_0, %add3A_17 : i32
    %dma_start3A_19 = tpu.memref_slice %arg3[%add3A_18] : memref<327680xi32, #tpu.memory_space<hbm>> -> memref<128xi32, #tpu.memory_space<hbm>>
    %dma_start3A_20 = tpu.memref_slice %arg3[%add3A_18] : memref<327680xi32, #tpu.memory_space<hbm>> -> memref<128xi32, #tpu.memory_space<hbm>>
    tpu.enqueue_dma source(%dma_start3A_20 : memref<128xi32, #tpu.memory_space<hbm>>) target(%arg9 : memref<128xi32, #tpu.memory_space<vmem>>) target_semaphore(%arg15 : memref<!tpu.dma_semaphore, #tpu.memory_space<semaphore_mem>>)
    %dma_start3A_21 = tpu.memref_slice %arg4[%add3A_18] : memref<327680xi32, #tpu.memory_space<hbm>> -> memref<128xi32, #tpu.memory_space<hbm>>
    %dma_start3A_22 = tpu.memref_slice %arg4[%add3A_18] : memref<327680xi32, #tpu.memory_space<hbm>> -> memref<128xi32, #tpu.memory_space<hbm>>
    tpu.enqueue_dma source(%dma_start3A_22 : memref<128xi32, #tpu.memory_space<hbm>>) target(%arg11 : memref<128xi32, #tpu.memory_space<vmem>>) target_semaphore(%arg15 : memref<!tpu.dma_semaphore, #tpu.memory_space<semaphore_mem>>)
    %scan3A = arith.constant 0 : i32
    %scan3A_23 = arith.constant 0 : i32
    %scan3A_24 = arith.constant 79 : i32
    %scan3A_25 = arith.addi %scan3A_23, %scan3A_24 : i32
    %scan3A_26 = arith.constant 1 : i32
    scf.for %scan3A_48 = %scan3A_23 to %scan3A_25 step %scan3A_26  : i32 {
      %mul3A_49 = arith.constant 2 : i32
      %mul3A_50 = arith.muli %mul3A_49, %scan3A_48 : i32
      %dma_wait3A_51 = arith.constant 0 : i32
      %dma_wait3A_52 = arith.constant 0 : i32
      %dma_wait3A_53 = tpu.memref_slice %arg2[%dma_wait3A_51, %dma_wait3A_52] : memref<10240x128xf32, #tpu.memory_space<hbm>> -> memref<10240x128xf32, #tpu.memory_space<hbm>>
      tpu.wait_indirect_dma semaphore(%arg16 : memref<!tpu.dma_semaphore, #tpu.memory_space<semaphore_mem>>) src(%dma_wait3A_53 : memref<10240x128xf32, #tpu.memory_space<hbm>>) dst(%arg12 : memref<128x128xf32, #tpu.memory_space<vmem>>)
      %add3A_54 = arith.constant 2 : i32
      %add3A_55 = arith.addi %mul3A_50, %add3A_54 : i32
      %mul3A_56 = arith.constant 128 : i32
      %mul3A_57 = arith.muli %add3A_55, %mul3A_56 : i32
      %add3A_58 = arith.addi %mul3A_0, %mul3A_57 : i32
      %dma_start3A_59 = tpu.memref_slice %arg3[%add3A_58] : memref<327680xi32, #tpu.memory_space<hbm>> -> memref<128xi32, #tpu.memory_space<hbm>>
      %dma_start3A_60 = tpu.memref_slice %arg3[%add3A_58] : memref<327680xi32, #tpu.memory_space<hbm>> -> memref<128xi32, #tpu.memory_space<hbm>>
      tpu.enqueue_dma source(%dma_start3A_60 : memref<128xi32, #tpu.memory_space<hbm>>) target(%arg8 : memref<128xi32, #tpu.memory_space<vmem>>) target_semaphore(%arg14 : memref<!tpu.dma_semaphore, #tpu.memory_space<semaphore_mem>>)
      %dma_start3A_61 = tpu.memref_slice %arg4[%add3A_58] : memref<327680xi32, #tpu.memory_space<hbm>> -> memref<128xi32, #tpu.memory_space<hbm>>
      %dma_start3A_62 = tpu.memref_slice %arg4[%add3A_58] : memref<327680xi32, #tpu.memory_space<hbm>> -> memref<128xi32, #tpu.memory_space<hbm>>
      tpu.enqueue_dma source(%dma_start3A_62 : memref<128xi32, #tpu.memory_space<hbm>>) target(%arg10 : memref<128xi32, #tpu.memory_space<vmem>>) target_semaphore(%arg14 : memref<!tpu.dma_semaphore, #tpu.memory_space<semaphore_mem>>)
      %add3A_63 = arith.constant 1 : i32
      %add3A_64 = arith.addi %mul3A_50, %add3A_63 : i32
      %mul3A_65 = arith.constant 128 : i32
      %mul3A_66 = arith.muli %add3A_64, %mul3A_65 : i32
      %add3A_67 = arith.addi %mul3A_0, %mul3A_66 : i32
      %dma_wait3A_68 = tpu.memref_slice %arg3[%add3A_67] : memref<327680xi32, #tpu.memory_space<hbm>> -> memref<128xi32, #tpu.memory_space<hbm>>
      %dma_wait3A_69 = tpu.memref_slice %arg3[%add3A_67] : memref<327680xi32, #tpu.memory_space<hbm>> -> memref<128xi32, #tpu.memory_space<hbm>>
      tpu.wait_dma2 semaphore(%arg15 : memref<!tpu.dma_semaphore, #tpu.memory_space<semaphore_mem>>) src(%dma_wait3A_69 : memref<128xi32, #tpu.memory_space<hbm>>) dst(%arg9 : memref<128xi32, #tpu.memory_space<vmem>>)
      %dma_wait3A_70 = tpu.memref_slice %arg4[%add3A_67] : memref<327680xi32, #tpu.memory_space<hbm>> -> memref<128xi32, #tpu.memory_space<hbm>>
      %dma_wait3A_71 = tpu.memref_slice %arg4[%add3A_67] : memref<327680xi32, #tpu.memory_space<hbm>> -> memref<128xi32, #tpu.memory_space<hbm>>
      tpu.wait_dma2 semaphore(%arg15 : memref<!tpu.dma_semaphore, #tpu.memory_space<semaphore_mem>>) src(%dma_wait3A_71 : memref<128xi32, #tpu.memory_space<hbm>>) dst(%arg11 : memref<128xi32, #tpu.memory_space<vmem>>)
      %dma_start3A_72 = arith.constant 0 : i32
      %dma_start3A_73 = arith.constant 0 : i32
      %dma_start3A_74 = tpu.memref_slice %arg2[%dma_start3A_72, %dma_start3A_73] : memref<10240x128xf32, #tpu.memory_space<hbm>> -> memref<10240x128xf32, #tpu.memory_space<hbm>>
      tpu.enqueue_indirect_dma source(%dma_start3A_74 : memref<10240x128xf32, #tpu.memory_space<hbm>>) target(%arg13 : memref<128x128xf32, #tpu.memory_space<vmem>>) offsets(%arg9 : memref<128xi32, #tpu.memory_space<vmem>>) semaphore(%arg17 : memref<!tpu.dma_semaphore, #tpu.memory_space<semaphore_mem>>)
      "tpu.region"() ({
        %run_scoped3A = tpu.sem_alloc : memref<!tpu.dma_semaphore, #tpu.memory_space<semaphore_mem>>
        %dma_start3A_99 = arith.constant 0 : i32
        %dma_start3A_100 = arith.constant 0 : i32
        %dma_start3A_101 = tpu.memref_slice %arg7[%dma_start3A_99, %dma_start3A_100] : memref<10240x128xf32, #tpu.memory_space<vmem_shared>> -> memref<10240x128xf32, #tpu.memory_space<vmem_shared>>
        tpu.enqueue_indirect_dma source(%arg12 : memref<128x128xf32, #tpu.memory_space<vmem>>) target(%dma_start3A_101 : memref<10240x128xf32, #tpu.memory_space<vmem_shared>>) offsets(%arg10 : memref<128xi32, #tpu.memory_space<vmem>>) semaphore(%run_scoped3A : memref<!tpu.dma_semaphore, #tpu.memory_space<semaphore_mem>>) {add = true}
        %dma_wait3A_102 = arith.constant 0 : i32
        %dma_wait3A_103 = arith.constant 0 : i32
        %dma_wait3A_104 = tpu.memref_slice %arg7[%dma_wait3A_102, %dma_wait3A_103] : memref<10240x128xf32, #tpu.memory_space<vmem_shared>> -> memref<10240x128xf32, #tpu.memory_space<vmem_shared>>
        tpu.wait_indirect_dma semaphore(%run_scoped3A : memref<!tpu.dma_semaphore, #tpu.memory_space<semaphore_mem>>) src(%arg12 : memref<128x128xf32, #tpu.memory_space<vmem>>) dst(%dma_wait3A_104 : memref<10240x128xf32, #tpu.memory_space<vmem_shared>>)
        tpu.yield
      }) : () -> ()
      %dma_wait3A_75 = arith.constant 0 : i32
      %dma_wait3A_76 = arith.constant 0 : i32
      %dma_wait3A_77 = tpu.memref_slice %arg2[%dma_wait3A_75, %dma_wait3A_76] : memref<10240x128xf32, #tpu.memory_space<hbm>> -> memref<10240x128xf32, #tpu.memory_space<hbm>>
      tpu.wait_indirect_dma semaphore(%arg17 : memref<!tpu.dma_semaphore, #tpu.memory_space<semaphore_mem>>) src(%dma_wait3A_77 : memref<10240x128xf32, #tpu.memory_space<hbm>>) dst(%arg13 : memref<128x128xf32, #tpu.memory_space<vmem>>)
      %add3A_78 = arith.constant 3 : i32
      %add3A_79 = arith.addi %mul3A_50, %add3A_78 : i32
      %mul3A_80 = arith.constant 128 : i32
      %mul3A_81 = arith.muli %add3A_79, %mul3A_80 : i32
      %add3A_82 = arith.addi %mul3A_0, %mul3A_81 : i32
      %dma_start3A_83 = tpu.memref_slice %arg3[%add3A_82] : memref<327680xi32, #tpu.memory_space<hbm>> -> memref<128xi32, #tpu.memory_space<hbm>>
      %dma_start3A_84 = tpu.memref_slice %arg3[%add3A_82] : memref<327680xi32, #tpu.memory_space<hbm>> -> memref<128xi32, #tpu.memory_space<hbm>>
      tpu.enqueue_dma source(%dma_start3A_84 : memref<128xi32, #tpu.memory_space<hbm>>) target(%arg9 : memref<128xi32, #tpu.memory_space<vmem>>) target_semaphore(%arg15 : memref<!tpu.dma_semaphore, #tpu.memory_space<semaphore_mem>>)
      %dma_start3A_85 = tpu.memref_slice %arg4[%add3A_82] : memref<327680xi32, #tpu.memory_space<hbm>> -> memref<128xi32, #tpu.memory_space<hbm>>
      %dma_start3A_86 = tpu.memref_slice %arg4[%add3A_82] : memref<327680xi32, #tpu.memory_space<hbm>> -> memref<128xi32, #tpu.memory_space<hbm>>
      tpu.enqueue_dma source(%dma_start3A_86 : memref<128xi32, #tpu.memory_space<hbm>>) target(%arg11 : memref<128xi32, #tpu.memory_space<vmem>>) target_semaphore(%arg15 : memref<!tpu.dma_semaphore, #tpu.memory_space<semaphore_mem>>)
      %add3A_87 = arith.constant 2 : i32
      %add3A_88 = arith.addi %mul3A_50, %add3A_87 : i32
      %mul3A_89 = arith.constant 128 : i32
      %mul3A_90 = arith.muli %add3A_88, %mul3A_89 : i32
      %add3A_91 = arith.addi %mul3A_0, %mul3A_90 : i32
      %dma_wait3A_92 = tpu.memref_slice %arg3[%add3A_91] : memref<327680xi32, #tpu.memory_space<hbm>> -> memref<128xi32, #tpu.memory_space<hbm>>
      %dma_wait3A_93 = tpu.memref_slice %arg3[%add3A_91] : memref<327680xi32, #tpu.memory_space<hbm>> -> memref<128xi32, #tpu.memory_space<hbm>>
      tpu.wait_dma2 semaphore(%arg14 : memref<!tpu.dma_semaphore, #tpu.memory_space<semaphore_mem>>) src(%dma_wait3A_93 : memref<128xi32, #tpu.memory_space<hbm>>) dst(%arg8 : memref<128xi32, #tpu.memory_space<vmem>>)
      %dma_wait3A_94 = tpu.memref_slice %arg4[%add3A_91] : memref<327680xi32, #tpu.memory_space<hbm>> -> memref<128xi32, #tpu.memory_space<hbm>>
      %dma_wait3A_95 = tpu.memref_slice %arg4[%add3A_91] : memref<327680xi32, #tpu.memory_space<hbm>> -> memref<128xi32, #tpu.memory_space<hbm>>
      tpu.wait_dma2 semaphore(%arg14 : memref<!tpu.dma_semaphore, #tpu.memory_space<semaphore_mem>>) src(%dma_wait3A_95 : memref<128xi32, #tpu.memory_space<hbm>>) dst(%arg10 : memref<128xi32, #tpu.memory_space<vmem>>)
      %dma_start3A_96 = arith.constant 0 : i32
      %dma_start3A_97 = arith.constant 0 : i32
      %dma_start3A_98 = tpu.memref_slice %arg2[%dma_start3A_96, %dma_start3A_97] : memref<10240x128xf32, #tpu.memory_space<hbm>> -> memref<10240x128xf32, #tpu.memory_space<hbm>>
      tpu.enqueue_indirect_dma source(%dma_start3A_98 : memref<10240x128xf32, #tpu.memory_space<hbm>>) target(%arg12 : memref<128x128xf32, #tpu.memory_space<vmem>>) offsets(%arg8 : memref<128xi32, #tpu.memory_space<vmem>>) semaphore(%arg16 : memref<!tpu.dma_semaphore, #tpu.memory_space<semaphore_mem>>)
      "tpu.region"() ({
        %run_scoped3A = tpu.sem_alloc : memref<!tpu.dma_semaphore, #tpu.memory_space<semaphore_mem>>
        %dma_start3A_99 = arith.constant 0 : i32
        %dma_start3A_100 = arith.constant 0 : i32
        %dma_start3A_101 = tpu.memref_slice %arg7[%dma_start3A_99, %dma_start3A_100] : memref<10240x128xf32, #tpu.memory_space<vmem_shared>> -> memref<10240x128xf32, #tpu.memory_space<vmem_shared>>
        tpu.enqueue_indirect_dma source(%arg13 : memref<128x128xf32, #tpu.memory_space<vmem>>) target(%dma_start3A_101 : memref<10240x128xf32, #tpu.memory_space<vmem_shared>>) offsets(%arg11 : memref<128xi32, #tpu.memory_space<vmem>>) semaphore(%run_scoped3A : memref<!tpu.dma_semaphore, #tpu.memory_space<semaphore_mem>>) {add = true}
        %dma_wait3A_102 = arith.constant 0 : i32
        %dma_wait3A_103 = arith.constant 0 : i32
        %dma_wait3A_104 = tpu.memref_slice %arg7[%dma_wait3A_102, %dma_wait3A_103] : memref<10240x128xf32, #tpu.memory_space<vmem_shared>> -> memref<10240x128xf32, #tpu.memory_space<vmem_shared>>
        tpu.wait_indirect_dma semaphore(%run_scoped3A : memref<!tpu.dma_semaphore, #tpu.memory_space<semaphore_mem>>) src(%arg13 : memref<128x128xf32, #tpu.memory_space<vmem>>) dst(%dma_wait3A_104 : memref<10240x128xf32, #tpu.memory_space<vmem_shared>>)
        tpu.yield
      }) : () -> ()
    }
    %scan3A_27 = arith.constant 79 : i32
    %dma_wait3A_28 = arith.constant 0 : i32
    %dma_wait3A_29 = arith.constant 0 : i32
    %dma_wait3A_30 = tpu.memref_slice %arg2[%dma_wait3A_28, %dma_wait3A_29] : memref<10240x128xf32, #tpu.memory_space<hbm>> -> memref<10240x128xf32, #tpu.memory_space<hbm>>
    tpu.wait_indirect_dma semaphore(%arg16 : memref<!tpu.dma_semaphore, #tpu.memory_space<semaphore_mem>>) src(%dma_wait3A_30 : memref<10240x128xf32, #tpu.memory_space<hbm>>) dst(%arg12 : memref<128x128xf32, #tpu.memory_space<vmem>>)
    %add3A_31 = arith.constant 20352 : i32
    %add3A_32 = arith.addi %mul3A_0, %add3A_31 : i32
    %dma_wait3A_33 = tpu.memref_slice %arg3[%add3A_32] : memref<327680xi32, #tpu.memory_space<hbm>> -> memref<128xi32, #tpu.memory_space<hbm>>
    %dma_wait3A_34 = tpu.memref_slice %arg3[%add3A_32] : memref<327680xi32, #tpu.memory_space<hbm>> -> memref<128xi32, #tpu.memory_space<hbm>>
    tpu.wait_dma2 semaphore(%arg15 : memref<!tpu.dma_semaphore, #tpu.memory_space<semaphore_mem>>) src(%dma_wait3A_34 : memref<128xi32, #tpu.memory_space<hbm>>) dst(%arg9 : memref<128xi32, #tpu.memory_space<vmem>>)
    %dma_wait3A_35 = tpu.memref_slice %arg4[%add3A_32] : memref<327680xi32, #tpu.memory_space<hbm>> -> memref<128xi32, #tpu.memory_space<hbm>>
    %dma_wait3A_36 = tpu.memref_slice %arg4[%add3A_32] : memref<327680xi32, #tpu.memory_space<hbm>> -> memref<128xi32, #tpu.memory_space<hbm>>
    tpu.wait_dma2 semaphore(%arg15 : memref<!tpu.dma_semaphore, #tpu.memory_space<semaphore_mem>>) src(%dma_wait3A_36 : memref<128xi32, #tpu.memory_space<hbm>>) dst(%arg11 : memref<128xi32, #tpu.memory_space<vmem>>)
    %dma_start3A_37 = arith.constant 0 : i32
    %dma_start3A_38 = arith.constant 0 : i32
    %dma_start3A_39 = tpu.memref_slice %arg2[%dma_start3A_37, %dma_start3A_38] : memref<10240x128xf32, #tpu.memory_space<hbm>> -> memref<10240x128xf32, #tpu.memory_space<hbm>>
    tpu.enqueue_indirect_dma source(%dma_start3A_39 : memref<10240x128xf32, #tpu.memory_space<hbm>>) target(%arg13 : memref<128x128xf32, #tpu.memory_space<vmem>>) offsets(%arg9 : memref<128xi32, #tpu.memory_space<vmem>>) semaphore(%arg17 : memref<!tpu.dma_semaphore, #tpu.memory_space<semaphore_mem>>)
    "tpu.region"() ({
      %run_scoped3A = tpu.sem_alloc : memref<!tpu.dma_semaphore, #tpu.memory_space<semaphore_mem>>
      %dma_start3A_48 = arith.constant 0 : i32
      %dma_start3A_49 = arith.constant 0 : i32
      %dma_start3A_50 = tpu.memref_slice %arg7[%dma_start3A_48, %dma_start3A_49] : memref<10240x128xf32, #tpu.memory_space<vmem_shared>> -> memref<10240x128xf32, #tpu.memory_space<vmem_shared>>
      tpu.enqueue_indirect_dma source(%arg12 : memref<128x128xf32, #tpu.memory_space<vmem>>) target(%dma_start3A_50 : memref<10240x128xf32, #tpu.memory_space<vmem_shared>>) offsets(%arg10 : memref<128xi32, #tpu.memory_space<vmem>>) semaphore(%run_scoped3A : memref<!tpu.dma_semaphore, #tpu.memory_space<semaphore_mem>>) {add = true}
      %dma_wait3A_51 = arith.constant 0 : i32
      %dma_wait3A_52 = arith.constant 0 : i32
      %dma_wait3A_53 = tpu.memref_slice %arg7[%dma_wait3A_51, %dma_wait3A_52] : memref<10240x128xf32, #tpu.memory_space<vmem_shared>> -> memref<10240x128xf32, #tpu.memory_space<vmem_shared>>
      tpu.wait_indirect_dma semaphore(%run_scoped3A : memref<!tpu.dma_semaphore, #tpu.memory_space<semaphore_mem>>) src(%arg12 : memref<128x128xf32, #tpu.memory_space<vmem>>) dst(%dma_wait3A_53 : memref<10240x128xf32, #tpu.memory_space<vmem_shared>>)
      tpu.yield
    }) : () -> ()
    %dma_wait3A_40 = arith.constant 0 : i32
    %dma_wait3A_41 = arith.constant 0 : i32
    %dma_wait3A_42 = tpu.memref_slice %arg2[%dma_wait3A_40, %dma_wait3A_41] : memref<10240x128xf32, #tpu.memory_space<hbm>> -> memref<10240x128xf32, #tpu.memory_space<hbm>>
    tpu.wait_indirect_dma semaphore(%arg17 : memref<!tpu.dma_semaphore, #tpu.memory_space<semaphore_mem>>) src(%dma_wait3A_42 : memref<10240x128xf32, #tpu.memory_space<hbm>>) dst(%arg13 : memref<128x128xf32, #tpu.memory_space<vmem>>)
    "tpu.region"() ({
      %run_scoped3A = tpu.sem_alloc : memref<!tpu.dma_semaphore, #tpu.memory_space<semaphore_mem>>
      %dma_start3A_48 = arith.constant 0 : i32
      %dma_start3A_49 = arith.constant 0 : i32
      %dma_start3A_50 = tpu.memref_slice %arg7[%dma_start3A_48, %dma_start3A_49] : memref<10240x128xf32, #tpu.memory_space<vmem_shared>> -> memref<10240x128xf32, #tpu.memory_space<vmem_shared>>
      tpu.enqueue_indirect_dma source(%arg13 : memref<128x128xf32, #tpu.memory_space<vmem>>) target(%dma_start3A_50 : memref<10240x128xf32, #tpu.memory_space<vmem_shared>>) offsets(%arg11 : memref<128xi32, #tpu.memory_space<vmem>>) semaphore(%run_scoped3A : memref<!tpu.dma_semaphore, #tpu.memory_space<semaphore_mem>>) {add = true}
      %dma_wait3A_51 = arith.constant 0 : i32
      %dma_wait3A_52 = arith.constant 0 : i32
      %dma_wait3A_53 = tpu.memref_slice %arg7[%dma_wait3A_51, %dma_wait3A_52] : memref<10240x128xf32, #tpu.memory_space<vmem_shared>> -> memref<10240x128xf32, #tpu.memory_space<vmem_shared>>
      tpu.wait_indirect_dma semaphore(%run_scoped3A : memref<!tpu.dma_semaphore, #tpu.memory_space<semaphore_mem>>) src(%arg13 : memref<128x128xf32, #tpu.memory_space<vmem>>) dst(%dma_wait3A_53 : memref<10240x128xf32, #tpu.memory_space<vmem_shared>>)
      tpu.yield
    }) : () -> ()
    %barrier3A_43 = arith.constant 0 : index
    tpu.barrier barrier_id(%barrier3A_43)
    %mul3A_44 = arith.constant 640 : i32
    %mul3A_45 = arith.muli %arg1, %mul3A_44 : i32
    %mul3A_46 = arith.constant 640 : i32
    %mul3A_47 = arith.muli %arg1, %mul3A_46 : i32
    "tpu.region"() ({
      %run_scoped3A = tpu.sem_alloc : memref<!tpu.dma_semaphore, #tpu.memory_space<semaphore_mem>>
      %dma_start3A_48 = arith.constant 0 : i32
      %dma_start3A_49 = tpu.memref_slice %arg6[%mul3A_47, %dma_start3A_48] : memref<10240x128xf32, #tpu.memory_space<hbm>> -> memref<640x128xf32, #tpu.memory_space<hbm>>
      %dma_start3A_50 = arith.constant 0 : i32
      %dma_start3A_51 = tpu.memref_slice %arg7[%mul3A_45, %dma_start3A_50] : memref<10240x128xf32, #tpu.memory_space<vmem_shared>> -> memref<640x128xf32, #tpu.memory_space<vmem_shared>>
      tpu.enqueue_dma source(%dma_start3A_51 : memref<640x128xf32, #tpu.memory_space<vmem_shared>>) target(%dma_start3A_49 : memref<640x128xf32, #tpu.memory_space<hbm>>) target_semaphore(%run_scoped3A : memref<!tpu.dma_semaphore, #tpu.memory_space<semaphore_mem>>)
      %dma_wait3A_52 = arith.constant 0 : i32
      %dma_wait3A_53 = tpu.memref_slice %arg6[%mul3A_47, %dma_wait3A_52] : memref<10240x128xf32, #tpu.memory_space<hbm>> -> memref<640x128xf32, #tpu.memory_space<hbm>>
      %dma_wait3A_54 = arith.constant 0 : i32
      %dma_wait3A_55 = tpu.memref_slice %arg7[%mul3A_45, %dma_wait3A_54] : memref<10240x128xf32, #tpu.memory_space<vmem_shared>> -> memref<640x128xf32, #tpu.memory_space<vmem_shared>>
      tpu.wait_dma2 semaphore(%run_scoped3A : memref<!tpu.dma_semaphore, #tpu.memory_space<semaphore_mem>>) src(%dma_wait3A_55 : memref<640x128xf32, #tpu.memory_space<vmem_shared>>) dst(%dma_wait3A_53 : memref<640x128xf32, #tpu.memory_space<hbm>>)
      tpu.yield
    }) : () -> ()
    return
  }
}

module attributes {stable_mosaic.version = 14 : i64} {
  func.func @_tc_prescale_body(%arg0: i32, %arg1: memref<512x128xf32, #tpu.memory_space<vmem>>, %arg2: memref<128x128xf32, #tpu.memory_space<vmem>>, %arg3: memref<512x2xf32, #tpu.memory_space<vmem>>, %arg4: memref<512x128xf32, #tpu.memory_space<vmem>>, %arg5: memref<512x1xf32, #tpu.memory_space<vmem>>) attributes {dimension_semantics = [#tpu.dimension_semantics<arbitrary>], iteration_bounds = array<i64: 20>, scalar_prefetch = 0 : i64, scratch_operands = 0 : i64, tpu.core_type = #tpu.core_type<tc>, window_params = [{transform_indices = @transform_0, window_bounds = array<i64: 512, 128>}, {pipeline_mode = #tpu.pipeline_mode<synchronous>, transform_indices = @transform_1, window_bounds = array<i64: 128, 128>}, {transform_indices = @transform_2, window_bounds = array<i64: 512, 2>}, {transform_indices = @transform_3, window_bounds = array<i64: 512, 128>}, {transform_indices = @transform_4, window_bounds = array<i64: 512, 1>}]} {
    %get3A = arith.constant 0 : index
    %get3A_0 = arith.constant 0 : index
    %get3A_1 = vector.load %arg3[%get3A, %get3A_0] : memref<512x2xf32, #tpu.memory_space<vmem>>, vector<512x2xf32>
    %slice3A = vector.extract_strided_slice %get3A_1 {offsets = [0, 0], sizes = [512, 1], strides = [1, 1]} : vector<512x2xf32> to vector<512x1xf32>
    %slice3A_2 = vector.extract_strided_slice %get3A_1 {offsets = [0, 1], sizes = [512, 1], strides = [1, 1]} : vector<512x2xf32> to vector<512x1xf32>
    %add3A = arith.addf %slice3A, %slice3A_2 : vector<512x1xf32>
    %add3A_3 = arith.constant 1.000000e+00 : f32
    %add3A_4 = vector.broadcast %add3A_3 : f32 to vector<512x1xf32>
    %add3A_5 = arith.addf %add3A, %add3A_4 : vector<512x1xf32>
    %max3A = arith.constant 1.000000e+00 : f32
    %max3A_6 = vector.broadcast %max3A : f32 to vector<512x1xf32>
    %max3A_7 = arith.maximumf %add3A_5, %max3A_6 : vector<512x1xf32>
    %rsqrt3A = math.rsqrt %max3A_7 : vector<512x1xf32>
    %get3A_8 = arith.constant 0 : index
    %get3A_9 = arith.constant 0 : index
    %get3A_10 = vector.load %arg1[%get3A_8, %get3A_9] : memref<512x128xf32, #tpu.memory_space<vmem>>, vector<512x128xf32>
    %get3A_11 = arith.constant 0 : index
    %get3A_12 = arith.constant 0 : index
    %get3A_13 = vector.load %arg2[%get3A_11, %get3A_12] : memref<128x128xf32, #tpu.memory_space<vmem>>, vector<128x128xf32>
    %dot_general3A = arith.constant dense<0.000000e+00> : vector<512x128xf32>
    %dot_general3A_14 = tpu.matmul %get3A_10, %get3A_13, %dot_general3A {dimension_numbers = #tpu.dot_dimension_numbers<[1], [0], [0], [1], [0, 0, 1, 1], [], []>, transpose_lhs_hint = false} : vector<512x128xf32>, vector<128x128xf32>, vector<512x128xf32> -> vector<512x128xf32>
    %mul3A = vector.broadcast %rsqrt3A : vector<512x1xf32> to vector<512x128xf32>
    %mul3A_15 = arith.mulf %mul3A, %dot_general3A_14 : vector<512x128xf32>
    %swap3A = arith.constant 0 : index
    %swap3A_16 = arith.constant 0 : index
    %swap3A_17 = vector.load %arg4[%swap3A, %swap3A_16] : memref<512x128xf32, #tpu.memory_space<vmem>>, vector<512x128xf32>
    tpu.vector_store %arg4[%swap3A, %swap3A_16], %mul3A_15 {strides = array<i32>} : memref<512x128xf32, #tpu.memory_space<vmem>>, vector<512x128xf32>,
    %swap3A_18 = arith.constant 0 : index
    %swap3A_19 = arith.constant 0 : index
    %swap3A_20 = vector.load %arg5[%swap3A_18, %swap3A_19] : memref<512x1xf32, #tpu.memory_space<vmem>>, vector<512x1xf32>
    tpu.vector_store %arg5[%swap3A_18, %swap3A_19], %rsqrt3A {strides = array<i32>} : memref<512x1xf32, #tpu.memory_space<vmem>>, vector<512x1xf32>,
    return
  }
  func.func @transform_0(%arg0: i32) -> (i32, i32) {
    %c0_i32 = arith.constant 0 : i32
    %c0_i32_0 = arith.constant 0 : i32
    return %arg0, %c0_i32 : i32, i32
  }
  func.func @transform_1(%arg0: i32) -> (i32, i32) {
    %c0_i32 = arith.constant 0 : i32
    %c0_i32_0 = arith.constant 0 : i32
    %c0_i32_1 = arith.constant 0 : i32
    return %c0_i32, %c0_i32_0 : i32, i32
  }
  func.func @transform_2(%arg0: i32) -> (i32, i32) {
    %c0_i32 = arith.constant 0 : i32
    %c0_i32_0 = arith.constant 0 : i32
    return %arg0, %c0_i32 : i32, i32
  }
  func.func @transform_3(%arg0: i32) -> (i32, i32) {
    %c0_i32 = arith.constant 0 : i32
    %c0_i32_0 = arith.constant 0 : i32
    return %arg0, %c0_i32 : i32, i32
  }
  func.func @transform_4(%arg0: i32) -> (i32, i32) {
    %c0_i32 = arith.constant 0 : i32
    %c0_i32_0 = arith.constant 0 : i32
    return %arg0, %c0_i32 : i32, i32
  }
}

module attributes {stable_mosaic.version = 14 : i64} {
  func.func @_tc_mid_body(%arg0: i32, %arg1: memref<512x128xf32, #tpu.memory_space<vmem>>, %arg2: memref<512x128xf32, #tpu.memory_space<vmem>>, %arg3: memref<512x1xf32, #tpu.memory_space<vmem>>, %arg4: memref<1x128xf32, #tpu.memory_space<vmem>>, %arg5: memref<128x128xf32, #tpu.memory_space<vmem>>, %arg6: memref<512x128xf32, #tpu.memory_space<vmem>>) attributes {dimension_semantics = [#tpu.dimension_semantics<arbitrary>], iteration_bounds = array<i64: 20>, scalar_prefetch = 0 : i64, scratch_operands = 0 : i64, tpu.core_type = #tpu.core_type<tc>, window_params = [{transform_indices = @transform_0, window_bounds = array<i64: 512, 128>}, {transform_indices = @transform_1, window_bounds = array<i64: 512, 128>}, {transform_indices = @transform_2, window_bounds = array<i64: 512, 1>}, {pipeline_mode = #tpu.pipeline_mode<synchronous>, transform_indices = @transform_3, window_bounds = array<i64: 1, 128>}, {pipeline_mode = #tpu.pipeline_mode<synchronous>, transform_indices = @transform_4, window_bounds = array<i64: 128, 128>}, {transform_indices = @transform_5, window_bounds = array<i64: 512, 128>}]} {
    %get3A = arith.constant 0 : index
    %get3A_0 = arith.constant 0 : index
    %get3A_1 = vector.load %arg1[%get3A, %get3A_0] : memref<512x128xf32, #tpu.memory_space<vmem>>, vector<512x128xf32>
    %get3A_2 = arith.constant 0 : index
    %get3A_3 = arith.constant 0 : index
    %get3A_4 = vector.load %arg2[%get3A_2, %get3A_3] : memref<512x128xf32, #tpu.memory_space<vmem>>, vector<512x128xf32>
    %add3A = arith.addf %get3A_1, %get3A_4 : vector<512x128xf32>
    %get3A_5 = arith.constant 0 : index
    %get3A_6 = arith.constant 0 : index
    %get3A_7 = vector.load %arg3[%get3A_5, %get3A_6] : memref<512x1xf32, #tpu.memory_space<vmem>>, vector<512x1xf32>
    %mul3A = vector.broadcast %get3A_7 : vector<512x1xf32> to vector<512x128xf32>
    %mul3A_8 = arith.mulf %mul3A, %add3A : vector<512x128xf32>
    %get3A_9 = arith.constant 0 : index
    %get3A_10 = arith.constant 0 : index
    %get3A_11 = vector.load %arg4[%get3A_9, %get3A_10] : memref<1x128xf32, #tpu.memory_space<vmem>>, vector<1x128xf32>
    %add3A_12 = vector.broadcast %get3A_11 : vector<1x128xf32> to vector<512x128xf32>
    %add3A_13 = arith.addf %mul3A_8, %add3A_12 : vector<512x128xf32>
    %max3A = arith.constant 0.000000e+00 : f32
    %max3A_14 = vector.broadcast %max3A : f32 to vector<512x128xf32>
    %max3A_15 = arith.maximumf %add3A_13, %max3A_14 : vector<512x128xf32>
    %get3A_16 = arith.constant 0 : index
    %get3A_17 = arith.constant 0 : index
    %get3A_18 = vector.load %arg5[%get3A_16, %get3A_17] : memref<128x128xf32, #tpu.memory_space<vmem>>, vector<128x128xf32>
    %dot_general3A = arith.constant dense<0.000000e+00> : vector<512x128xf32>
    %dot_general3A_19 = tpu.matmul %max3A_15, %get3A_18, %dot_general3A {dimension_numbers = #tpu.dot_dimension_numbers<[1], [0], [0], [1], [0, 0, 1, 1], [], []>, transpose_lhs_hint = false} : vector<512x128xf32>, vector<128x128xf32>, vector<512x128xf32> -> vector<512x128xf32>
    %mul3A_20 = vector.broadcast %get3A_7 : vector<512x1xf32> to vector<512x128xf32>
    %mul3A_21 = arith.mulf %mul3A_20, %dot_general3A_19 : vector<512x128xf32>
    %swap3A = arith.constant 0 : index
    %swap3A_22 = arith.constant 0 : index
    %swap3A_23 = vector.load %arg6[%swap3A, %swap3A_22] : memref<512x128xf32, #tpu.memory_space<vmem>>, vector<512x128xf32>
    tpu.vector_store %arg6[%swap3A, %swap3A_22], %mul3A_21 {strides = array<i32>} : memref<512x128xf32, #tpu.memory_space<vmem>>, vector<512x128xf32>,
    return
  }
  func.func @transform_0(%arg0: i32) -> (i32, i32) {
    %c0_i32 = arith.constant 0 : i32
    %c0_i32_0 = arith.constant 0 : i32
    return %arg0, %c0_i32 : i32, i32
  }
  func.func @transform_1(%arg0: i32) -> (i32, i32) {
    %c0_i32 = arith.constant 0 : i32
    %c0_i32_0 = arith.constant 0 : i32
    return %arg0, %c0_i32 : i32, i32
  }
  func.func @transform_2(%arg0: i32) -> (i32, i32) {
    %c0_i32 = arith.constant 0 : i32
    %c0_i32_0 = arith.constant 0 : i32
    return %arg0, %c0_i32 : i32, i32
  }
  func.func @transform_3(%arg0: i32) -> (i32, i32) {
    %c0_i32 = arith.constant 0 : i32
    %c0_i32_0 = arith.constant 0 : i32
    %c0_i32_1 = arith.constant 0 : i32
    return %c0_i32, %c0_i32_0 : i32, i32
  }
  func.func @transform_4(%arg0: i32) -> (i32, i32) {
    %c0_i32 = arith.constant 0 : i32
    %c0_i32_0 = arith.constant 0 : i32
    %c0_i32_1 = arith.constant 0 : i32
    return %c0_i32, %c0_i32_0 : i32, i32
  }
  func.func @transform_5(%arg0: i32) -> (i32, i32) {
    %c0_i32 = arith.constant 0 : i32
    %c0_i32_0 = arith.constant 0 : i32
    return %arg0, %c0_i32 : i32, i32
  }
}

module attributes {stable_mosaic.version = 14 : i64} {
  func.func @_tc_final_body(%arg0: i32, %arg1: memref<512x128xf32, #tpu.memory_space<vmem>>, %arg2: memref<512x128xf32, #tpu.memory_space<vmem>>, %arg3: memref<512x1xf32, #tpu.memory_space<vmem>>, %arg4: memref<1x128xf32, #tpu.memory_space<vmem>>, %arg5: memref<512x1xi32, #tpu.memory_space<vmem>>, %arg6: memref<64x128xf32, #tpu.memory_space<vmem>>, %arg7: memref<64x128xf32, #tpu.memory_space<vmem>>, %arg8: memref<64x128xf32, #tpu.memory_space<vmem>>) attributes {dimension_semantics = [#tpu.dimension_semantics<arbitrary>], iteration_bounds = array<i64: 20>, scalar_prefetch = 0 : i64, scratch_operands = 2 : i64, tpu.core_type = #tpu.core_type<tc>, window_params = [{transform_indices = @transform_0, window_bounds = array<i64: 512, 128>}, {transform_indices = @transform_1, window_bounds = array<i64: 512, 128>}, {transform_indices = @transform_2, window_bounds = array<i64: 512, 1>}, {pipeline_mode = #tpu.pipeline_mode<synchronous>, transform_indices = @transform_3, window_bounds = array<i64: 1, 128>}, {transform_indices = @transform_4, window_bounds = array<i64: 512, 1>}, {pipeline_mode = #tpu.pipeline_mode<synchronous>, transform_indices = @transform_5, window_bounds = array<i64: 64, 128>}]} {
    %eq3A = arith.constant 0 : i32
    %eq3A_0 = arith.cmpi eq, %arg0, %eq3A : i32
    %convert_element_type3A = arith.extui %eq3A_0 : i1 to i32
    %cond3A = arith.constant 0 : i32
    %cond3A_1 = arith.cmpi ne, %convert_element_type3A, %cond3A : i32
    scf.if %cond3A_1 {
      %broadcast_in_dim3A_47 = arith.constant 0.000000e+00 : f32
      %broadcast_in_dim3A_48 = vector.broadcast %broadcast_in_dim3A_47 : f32 to vector<64x128xf32>
      %swap3A_49 = arith.constant 0 : index
      %swap3A_50 = arith.constant 0 : index
      %swap3A_51 = vector.load %arg7[%swap3A_49, %swap3A_50] : memref<64x128xf32, #tpu.memory_space<vmem>>, vector<64x128xf32>
      tpu.vector_store %arg7[%swap3A_49, %swap3A_50], %broadcast_in_dim3A_48 {strides = array<i32>} : memref<64x128xf32, #tpu.memory_space<vmem>>, vector<64x128xf32>,
      %broadcast_in_dim3A_52 = arith.constant 0.000000e+00 : f32
      %broadcast_in_dim3A_53 = vector.broadcast %broadcast_in_dim3A_52 : f32 to vector<64x128xf32>
      %swap3A_54 = arith.constant 0 : index
      %swap3A_55 = arith.constant 0 : index
      %swap3A_56 = vector.load %arg8[%swap3A_54, %swap3A_55] : memref<64x128xf32, #tpu.memory_space<vmem>>, vector<64x128xf32>
      tpu.vector_store %arg8[%swap3A_54, %swap3A_55], %broadcast_in_dim3A_53 {strides = array<i32>} : memref<64x128xf32, #tpu.memory_space<vmem>>, vector<64x128xf32>,
    } else {
    }
    %get3A = arith.constant 0 : index
    %get3A_2 = arith.constant 0 : index
    %get3A_3 = vector.load %arg1[%get3A, %get3A_2] : memref<512x128xf32, #tpu.memory_space<vmem>>, vector<512x128xf32>
    %get3A_4 = arith.constant 0 : index
    %get3A_5 = arith.constant 0 : index
    %get3A_6 = vector.load %arg2[%get3A_4, %get3A_5] : memref<512x128xf32, #tpu.memory_space<vmem>>, vector<512x128xf32>
    %add3A = arith.addf %get3A_3, %get3A_6 : vector<512x128xf32>
    %get3A_7 = arith.constant 0 : index
    %get3A_8 = arith.constant 0 : index
    %get3A_9 = vector.load %arg3[%get3A_7, %get3A_8] : memref<512x1xf32, #tpu.memory_space<vmem>>, vector<512x1xf32>
    %mul3A = vector.broadcast %get3A_9 : vector<512x1xf32> to vector<512x128xf32>
    %mul3A_10 = arith.mulf %mul3A, %add3A : vector<512x128xf32>
    %get3A_11 = arith.constant 0 : index
    %get3A_12 = arith.constant 0 : index
    %get3A_13 = vector.load %arg4[%get3A_11, %get3A_12] : memref<1x128xf32, #tpu.memory_space<vmem>>, vector<1x128xf32>
    %add3A_14 = vector.broadcast %get3A_13 : vector<1x128xf32> to vector<512x128xf32>
    %add3A_15 = arith.addf %mul3A_10, %add3A_14 : vector<512x128xf32>
    %max3A = arith.constant 0.000000e+00 : f32
    %max3A_16 = vector.broadcast %max3A : f32 to vector<512x128xf32>
    %max3A_17 = arith.maximumf %add3A_15, %max3A_16 : vector<512x128xf32>
    %iota3A = tpu.iota {dimensions = array<i32: 1>} : vector<512x64xi32>
    %get3A_18 = arith.constant 0 : index
    %get3A_19 = arith.constant 0 : index
    %get3A_20 = vector.load %arg5[%get3A_18, %get3A_19] : memref<512x1xi32, #tpu.memory_space<vmem>>, vector<512x1xi32>
    %eq3A_21 = vector.broadcast %get3A_20 : vector<512x1xi32> to vector<512x64xi32>
    %eq3A_22 = arith.cmpi eq, %eq3A_21, %iota3A : vector<512x64xi32>
    %convert_element_type3A_23 = arith.extui %eq3A_22 : vector<512x64xi1> to vector<512x64xi32>
    %convert_element_type3A_24 = arith.sitofp %convert_element_type3A_23 : vector<512x64xi32> to vector<512x64xf32>
    %get3A_25 = arith.constant 0 : index
    %get3A_26 = arith.constant 0 : index
    %get3A_27 = vector.load %arg7[%get3A_25, %get3A_26] : memref<64x128xf32, #tpu.memory_space<vmem>>, vector<64x128xf32>
    %dot_general3A = arith.constant dense<0.000000e+00> : vector<64x128xf32>
    %dot_general3A_28 = tpu.matmul %convert_element_type3A_24, %max3A_17, %dot_general3A {dimension_numbers = #tpu.dot_dimension_numbers<[0], [0], [1], [1], [0, 1, 1, 1], [], []>, transpose_lhs_hint = false} : vector<512x64xf32>, vector<512x128xf32>, vector<64x128xf32> -> vector<64x128xf32>
    %add3A_29 = arith.addf %get3A_27, %dot_general3A_28 : vector<64x128xf32>
    %swap3A = arith.constant 0 : index
    %swap3A_30 = arith.constant 0 : index
    %swap3A_31 = vector.load %arg7[%swap3A, %swap3A_30] : memref<64x128xf32, #tpu.memory_space<vmem>>, vector<64x128xf32>
    tpu.vector_store %arg7[%swap3A, %swap3A_30], %add3A_29 {strides = array<i32>} : memref<64x128xf32, #tpu.memory_space<vmem>>, vector<64x128xf32>,
    %get3A_32 = arith.constant 0 : index
    %get3A_33 = arith.constant 0 : index
    %get3A_34 = vector.load %arg8[%get3A_32, %get3A_33] : memref<64x128xf32, #tpu.memory_space<vmem>>, vector<64x128xf32>
    %broadcast_in_dim3A = arith.constant 1.000000e+00 : f32
    %broadcast_in_dim3A_35 = vector.broadcast %broadcast_in_dim3A : f32 to vector<512x128xf32>
    %dot_general3A_36 = arith.constant dense<0.000000e+00> : vector<64x128xf32>
    %dot_general3A_37 = tpu.matmul %convert_element_type3A_24, %broadcast_in_dim3A_35, %dot_general3A_36 {dimension_numbers = #tpu.dot_dimension_numbers<[0], [0], [1], [1], [0, 1, 1, 1], [], []>, transpose_lhs_hint = false} : vector<512x64xf32>, vector<512x128xf32>, vector<64x128xf32> -> vector<64x128xf32>
    %add3A_38 = arith.addf %get3A_34, %dot_general3A_37 : vector<64x128xf32>
    %swap3A_39 = arith.constant 0 : index
    %swap3A_40 = arith.constant 0 : index
    %swap3A_41 = vector.load %arg8[%swap3A_39, %swap3A_40] : memref<64x128xf32, #tpu.memory_space<vmem>>, vector<64x128xf32>
    tpu.vector_store %arg8[%swap3A_39, %swap3A_40], %add3A_38 {strides = array<i32>} : memref<64x128xf32, #tpu.memory_space<vmem>>, vector<64x128xf32>,
    %eq3A_42 = arith.constant 19 : i32
    %eq3A_43 = arith.cmpi eq, %arg0, %eq3A_42 : i32
    %convert_element_type3A_44 = arith.extui %eq3A_43 : i1 to i32
    %cond3A_45 = arith.constant 0 : i32
    %cond3A_46 = arith.cmpi ne, %convert_element_type3A_44, %cond3A_45 : i32
    scf.if %cond3A_46 {
      %get3A_47 = arith.constant 0 : index
      %get3A_48 = arith.constant 0 : index
      %get3A_49 = vector.load %arg7[%get3A_47, %get3A_48] : memref<64x128xf32, #tpu.memory_space<vmem>>, vector<64x128xf32>
      %get3A_50 = arith.constant 0 : index
      %get3A_51 = arith.constant 0 : index
      %get3A_52 = vector.load %arg8[%get3A_50, %get3A_51] : memref<64x128xf32, #tpu.memory_space<vmem>>, vector<64x128xf32>
      %max3A_53 = arith.constant 1.000000e+00 : f32
      %max3A_54 = vector.broadcast %max3A_53 : f32 to vector<64x128xf32>
      %max3A_55 = arith.maximumf %get3A_52, %max3A_54 : vector<64x128xf32>
      %div3A = arith.divf %get3A_49, %max3A_55 : vector<64x128xf32>
      %swap3A_56 = arith.constant 0 : index
      %swap3A_57 = arith.constant 0 : index
      %swap3A_58 = vector.load %arg6[%swap3A_56, %swap3A_57] : memref<64x128xf32, #tpu.memory_space<vmem>>, vector<64x128xf32>
      tpu.vector_store %arg6[%swap3A_56, %swap3A_57], %div3A {strides = array<i32>} : memref<64x128xf32, #tpu.memory_space<vmem>>, vector<64x128xf32>,
    } else {
    }
    return
  }
  func.func @transform_0(%arg0: i32) -> (i32, i32) {
    %c0_i32 = arith.constant 0 : i32
    %c0_i32_0 = arith.constant 0 : i32
    return %arg0, %c0_i32 : i32, i32
  }
  func.func @transform_1(%arg0: i32) -> (i32, i32) {
    %c0_i32 = arith.constant 0 : i32
    %c0_i32_0 = arith.constant 0 : i32
    return %arg0, %c0_i32 : i32, i32
  }
  func.func @transform_2(%arg0: i32) -> (i32, i32) {
    %c0_i32 = arith.constant 0 : i32
    %c0_i32_0 = arith.constant 0 : i32
    return %arg0, %c0_i32 : i32, i32
  }
  func.func @transform_3(%arg0: i32) -> (i32, i32) {
    %c0_i32 = arith.constant 0 : i32
    %c0_i32_0 = arith.constant 0 : i32
    %c0_i32_1 = arith.constant 0 : i32
    return %c0_i32, %c0_i32_0 : i32, i32
  }
  func.func @transform_4(%arg0: i32) -> (i32, i32) {
    %c0_i32 = arith.constant 0 : i32
    %c0_i32_0 = arith.constant 0 : i32
    return %arg0, %c0_i32 : i32, i32
  }
  func.func @transform_5(%arg0: i32) -> (i32, i32) {
    %c0_i32 = arith.constant 0 : i32
    %c0_i32_0 = arith.constant 0 : i32
    %c0_i32_1 = arith.constant 0 : i32
    return %c0_i32, %c0_i32_0 : i32, i32
  }
}

</mosaic_0001>

<sc_bundles>
// kernel: kernel.11.cloned.1.call-start
scs
__scs_entry_jumppad:
0x0: {  	(pc) =	sbr.rel $0x88, $3  }
0x1: {  	(tag) =	ssettag $0x0;
	lr =	simm.s32 $0x1  }
0x2: {  	[smem:$0x3F9A] =	sst lr;
	_ =	strace $0xD0000000  }
0x3: {  	_ = 	snop  }
0x4: {  	_ = 	snop  }
0x5: {  	_ = 	snop  }
0x6: {  	_ = 	snop  }
0x7: {  	_ = 	snop  }
__scs_overlays_trampoline_lowered:
0x8: {  	[smem:$0x3FA9] =	sst s0  }
0x9: {  	[smem:$0x3FAA] =	sst s1  }
0xa: {  	[smem:$0x3FAB] =	sst s2  }
0xb: {  	[smem:$0x3FAC] =	sst s3  }
0xc: {  	[smem:$0x3FAD] =	sst s4  }
0xd: {  	[smem:$0x3FAE] =	sst s5  }
0xe: {  	[smem:$0x3FAF] =	sst s6  }
0xf: {  	[smem:$0x3FB0] =	sst s7  }
0x10: {  	[smem:$0x3FB1] =	sst s8  }
0x11: {  	[smem:$0x3FB2] =	sst s9;
	s0 =	simm.s32 @!p0 $0x0  }
0x12: {  	s1 =	sld [smem:$0x3F98];
	s0 =	simm.s32 @p0 $0x1  }
0x13: {  	[smem:$0x3FB3] =	sst s0;
	s0 =	simm.s32 @!p1 $0x0  }
0x14: {  	s2 =	sld [smem:$0x3F97];
	s0 =	simm.s32 @p1 $0x1  }
0x15: {  	[smem:$0x3FB4] =	sst s0;
	s0 =	simm.s32 @!p2 $0x0  }
0x16: {  	s3 =	sld [smem:$0x3FDB];
	s0 =	simm.s32 @p2 $0x1  }
0x17: {  	s4 =	simm.s32 $0x1BF5;
	[smem:$0x3FB6] =	sst s0  }
0x18: {  	s0 =	sld [smem:$0x3F99];
	_ =	swait.ge [sflag:s4], $0x0  }
0x19: {  	s7 =	sld [smem:$0x3F9A]  }
0x1a: {  	s8 =	sadd.s32 $0xFFFFE003, lr  }
0x1b: {  	s9 =	sadd.s32 $0xFFFFFEF7, lr;
	s5 =	simm.s32 $0xFFFFFFFF;
	p2 =	slt.u32 s8, $0xFFFFF086  }
0x1c: {  	p1 =	slt.u32 s9, $0xF7A;
	s5 =	simm.s32 @!p2 $0x0  }
0x1d: {  	s5 =	simm.s32 @p1 $0x1;
	p0 =	seq.s32 s7, s2  }
0x1e: {  	s7 =	smul.u32 @!p0 $0xF7A, s2;
	p2 =	seq.s32 @!p0 s5, $0x0  }
0x1f: {  	s9 =	smul.u32 $0xF7A, s1;
	s8 =	simm.s32 @!p0 $0x1BF5;
	p2 =	por !p2, p0  }
0x20: {  	[sflag:s8] =	ssyncset.s32 @!p0 $0xFFFFF086;
	s6 =	sadd.s32 @!p0 s3, s7;
	s7 =	simm.s32 @!p0 $0x108  }
0x21: {  	s3 =	sadd.s32 s3, s9;
	s6 =	sadd.s32 @!p0 $0x88, s6;
	s7 =	simm.s32 @p2 $0x1082  }
0x22: {  	[simem:s7], [sflag:s8] =	dma.local @!p0 [hbm:s6], $0xF7A  }
0x23: {  	s9 =	sor.u32 $0xD0000000, s2;
	s6 =	simm.s32 $0x108;
	_ =	swait.ge @!p0 [sflag:s8], $0x0  }
0x24: {  	s3 =	sadd.s32 $0x88, s3;
	s6 =	simm.s32 @!p1 $0x1082;
	[sflag:s4] =	ssyncset.s32 $0xFFFFF086  }
0x25: {  	[simem:s6], [sflag:s4] =	dma.local [hbm:s3], $0xF7A  }
0x26: {  	[smem:$0x3F9A] =	sst s1;
	(tag) =	ssettag s2;
	_ =	strace s9  }
0x27: {  	s1 =	sld [smem:$0x3FAA]  }
0x28: {  	s2 =	sld [smem:$0x3FAB]  }
0x29: {  	s4 =	sld [smem:$0x3FAD]  }
0x2a: {  	p0 =	seq.s32 s5, $0x0;
	s5 =	sld [smem:$0x3FAE]  }
0x2b: {  	s6 =	sld [smem:$0x3FAF]  }
0x2c: {  	s7 =	sld [smem:$0x3FB0]  }
0x2d: {  	s3 =	simm.s32 $0x108;
	s8 =	sld [smem:$0x3FB1]  }
0x2e: {  	s3 =	simm.s32 @!p0 $0x1082;
	s9 =	sld [smem:$0x3FB2]  }
0x2f: {  	lr =	sadd.s32 s0, s3;
	s0 =	sld [smem:$0x3FA9]  }
0x30: {  	s3 =	sld [smem:$0x3FAC]  }
0x31: {  	[smem:$0x3FB5] =	sst s10  }
0x32: {  	s10 =	sld [smem:$0x3FB3];
	_ =	sdelay $0x3  }
0x33: {  	p0 =	seq.s32 s10, $0x1;
	s10 =	sld [smem:$0x3FB5];
	_ =	sdelay $0x3  }
0x34: {  	[smem:$0x3FB5] =	sst s10  }
0x35: {  	s10 =	sld [smem:$0x3FB4];
	_ =	sdelay $0x3  }
0x36: {  	p1 =	seq.s32 s10, $0x1;
	s10 =	sld [smem:$0x3FB5];
	_ =	sdelay $0x3  }
0x37: {  	[smem:$0x3FB5] =	sst s10  }
0x38: {  	s10 =	sld [smem:$0x3FB6]  }
0x39: {  	_ = 	snop;
	(pc) =	sbr.ind lr, $3  }
0x3a: {  	_ = 	snop  }
0x3b: {  	_ = 	snop  }
0x3c: {  	p2 =	seq.s32 s10, $0x1;
	s10 =	sld [smem:$0x3FB5]  }
0x3d: {  	_ =	shalt  }
0x3e: {  	_ =	shalt  }
0x3f: {  	_ =	shalt  }
0x40: {  	_ =	shalt  }
0x41: {  	_ =	shalt  }
0x42: {  	_ =	shalt  }
0x43: {  	_ =	shalt  }
0x44: {  	_ =	shalt  }
0x45: {  	_ =	shalt  }
0x46: {  	_ =	shalt  }
0x47: {  	_ =	shalt  }
0x48: {  	_ =	shalt  }
0x49: {  	_ =	shalt  }
0x4a: {  	_ =	shalt  }
0x4b: {  	_ =	shalt  }
0x4c: {  	_ =	shalt  }
0x4d: {  	_ =	shalt  }
0x4e: {  	_ =	shalt  }
0x4f: {  	_ =	shalt  }
0x50: {  	_ =	shalt  }
0x51: {  	_ =	shalt  }
0x52: {  	_ =	shalt  }
0x53: {  	_ =	shalt  }
0x54: {  	_ =	shalt  }
0x55: {  	_ =	shalt  }
0x56: {  	_ =	shalt  }
0x57: {  	_ =	shalt  }
0x58: {  	_ =	shalt  }
0x59: {  	_ =	shalt  }
0x5a: {  	_ =	shalt  }
0x5b: {  	_ =	shalt  }
0x5c: {  	_ =	shalt  }
0x5d: {  	_ =	shalt  }
0x5e: {  	_ =	shalt  }
0x5f: {  	_ =	shalt  }
0x60: {  	_ =	shalt  }
0x61: {  	_ =	shalt  }
0x62: {  	_ =	shalt  }
0x63: {  	_ =	shalt  }
0x64: {  	_ =	shalt  }
0x65: {  	_ =	shalt  }
0x66: {  	_ =	shalt  }
0x67: {  	_ =	shalt  }
0x68: {  	_ =	shalt  }
0x69: {  	_ =	shalt  }
0x6a: {  	_ =	shalt  }
0x6b: {  	_ =	shalt  }
0x6c: {  	_ =	shalt  }
0x6d: {  	_ =	shalt  }
0x6e: {  	_ =	shalt  }
0x6f: {  	_ =	shalt  }
0x70: {  	_ =	shalt  }
0x71: {  	_ =	shalt  }
0x72: {  	_ =	shalt  }
0x73: {  	_ =	shalt  }
0x74: {  	_ =	shalt  }
0x75: {  	_ =	shalt  }
0x76: {  	_ =	shalt  }
0x77: {  	_ =	shalt  }
0x78: {  	_ =	shalt  }
0x79: {  	_ =	shalt  }
0x7a: {  	_ =	shalt  }
0x7b: {  	_ =	shalt  }
0x7c: {  	_ =	shalt  }
0x7d: {  	_ =	shalt  }
0x7e: {  	_ =	shalt  }
0x7f: {  	_ =	shalt  }
0x80: {  	_ =	shalt  }
0x81: {  	_ =	shalt  }
0x82: {  	_ =	shalt  }
0x83: {  	_ =	shalt  }
0x84: {  	_ =	shalt  }
0x85: {  	_ =	shalt  }
0x86: {  	_ =	shalt  }
0x87: {  	_ =	shalt  }
.Lfunc_end0:
.L_simem_size_0:
called_computation.1_lowered:
.L_overlay_start_0:
0x88: {  	s0 =	sld [smem:$0x3FD9]  }
0x89: {  	s1 =	sld [smem:$0x3FFE];
	_ =	sdelay $0x3  }
0x8a: {  	s0 =	sadd.s32 s1, s0  }
0x8b: {  	[smem:$0x3FC1] =	sst s0  }
0x8c: {  	_ = 	snop  }
0x8d: {  	(tm) =	ssettm $0x1  }
0x8e: {  	s15 =	sld [smem:$0x3FFB];
	_ =	sdelay $0x3  }
0x8f: {  	_ =	strace s15  }
0x90: {  	s0 =	sld [smem:$0x3FFC];
	_ =	sdelay $0x3  }
0x91: {  	_ =	strace s0  }
0x92: {  	s0 =	sld [smem:$0x3FFD];
	_ =	sdelay $0x3  }
0x93: {  	_ =	strace s0  }
0x94: {  	_ =	strace $0x8FFFFFFF  }
0x95: {  	s16 =	sld [smem:$0x3FDB];
	_ =	sdelay $0x1  }
0x96: {  	s17 =	simm.s32 $_scs_section_size  }
0x97: {  	s2 =	simm.s32 $_size__tile_overlayer_lowered;
	s3 =	simm.s32 $_tile_overlayer_lowered  }
0x98: {  	s20 =	simm.s32 $0x1BFF;
	s19 =	sshll.u32 s3, $0x1;
	s0 =	sadd.s32 s17, s16  }
0x99: {  	s4 =	simm.s32 $0x0;
	s18 =	sshll.u32 s2, $0x1;
	s2 =	sadd.s32 s19, s0  }
0x9a: {  	[timem:s4], [sflag:s20] =	dma.local [hbm:s2], s18  }
0x9b: {  	_ =	swait.ge [sflag:s20], s18  }
0x9c: {  	s1 =	ssub.s32 $0x0, s18;
	[sflag:s20] =	ssyncset.done $0x0  }
0x9d: {  	[sflag:s20] =	ssyncadd.s32 s1;
	_ =	sdelay $0x1  }
0x9e: {  	s21 =	simm.s32 $0x1B8B  }
0x9f: {  	_ =	swait.ge [sflag:s21], $0x1  }
0xa0: {  	[sflag:s21] =	ssyncset.done $0x0  }
0xa1: {  	s23 =	simm.s32 $0x1B8E;
	s22 =	sld [smem:$0x3FFE];
	[sflag:s21] =	ssyncadd.s32 $0xFFFFFFFF  }
0xa2: {  	s24 =	simm.s32 $execute0_lowered;
	[smem:$0x3FD2] =	sst s23  }
0xa3: {  	s2 =	sshll.u32 s24, $0x1;
	_ =	strace $0x80000049;
	[dreg:$0x1] =	wrdreg $0xFFFFFFFF  }
0xa4: {  	s25 =	simm.s32 $_size_execute0_lowered;
	s0 =	sadd.s32 s0, s2;
	[dreg:$0x0] =	wrdreg $0x0  }
0xa5: {  	s2 =	sshll.u32 s25, $0x1;
	[dreg:$0x2] =	wrdreg s0  }
0xa6: {  	[dreg:$0x3] =	wrdreg s2  }
0xa7: {  	[dreg:$0x4] =	wrdreg $0xC0  }
0xa8: {  	_ =	task [dreg:s4], $0x5FFFF  }
0xa9: {  	[dreg:$0x1] =	wrdreg $0xFFFFFFFF  }
0xaa: {  	[dreg:$0x0] =	wrdreg $0x60  }
0xab: {  	[dreg:$0x2] =	wrdreg s22  }
0xac: {  	[dreg:$0x3] =	wrdreg $0x0  }
0xad: {  	[dreg:$0x4] =	wrdreg $0x9  }
0xae: {  	_ =	task.clear_ibuf [dreg:s4], $0x5FFFF;
	_ =	strace $0x90000049  }
0xaf: {  	s26 =	simm.s32 $0x9;
	_ =	strace $0x8000004B  }
0xb0: {  	_ =	swait.ge [sflag:s26], $0x1  }
0xb1: {  	[sflag:s26] =	ssyncadd.s32 $0xFFFFFFFF  }
0xb2: {  	_ =	strace $0x9000004B  }
0xb3: {  	_ =	sfence  }
0xb4: {  	s28 =	sld [smem:$0x0];
	_ =	sdelay $0x1  }
0xb5: {  	s29 =	srdreg.scid  }
0xb6: {  	s30 =	sshll.u32 s29, $0xD;
	s31 =	sshrl.u32 s29, $0x2  }
0xb7: {  	s1 =	sand.u32 $0x1, s29;
	s2 =	sand.u32 $0x4000, s30;
	s0 =	sadd.s32 s31, s28  }
0xb8: {  	s1 =	sor.u32 s2, s1;
	s0 =	sshll.u32 s0, $0x11  }
0xb9: {  	s0 =	sor.u32 s0, s1  }
0xba: {  	s0 =	sadd.s32 $0x8F2B, s0  }
0xbb: {  	[sflag:s0] =	ssyncadd.remote.s32 $0x1  }
0xbc: {  	_ =	sfence.sel $0xFFFF  }
0xbd: {  	[dreg:$0x0] =	wrdreg $0xFFFFFFFF;
	(pc) =	sbr.abs _section_cstart, $3  }
0xbe: {  	[dreg:$0x1] =	wrdreg $0xFFFFFFFF  }
0xbf: {  	_ =	task.clear_ibuf [dreg:s4], $0x2FFFF;
	_ =	strace $0x9FFFFFFF  }
0xc0: {  	(tm) =	ssettm $0x7FFFFFFF  }
0xc1: {  	_ =	shalt  }
tec
execute0_lowered:
.L_overlay_start_1:
0x0: {  	(tag) =	ssettag $0x1  }
0x1: {  	s19 =	rddreg [dreg:$0x0];
	s1 =	stileid.u32  }
0x2: {  	s2 =	rddreg [dreg:$0x1];
	s4 =	smul.u32 $0x50000, s1  }
0x3: {  	s0 =	rddreg [dreg:$0x2];
	s6 =	simm.s32 $0x0;
	s3 =	smul.u32 $0x2800, s1  }
0x4: {  	[smem:$0x7FF] =	sst s6  }
0x5: {  	s25 =	sshll.u32 s1, $0x6;
	s4 =	sshrl.u32 s4, $0x2;
	s5 =	sadd.s32 s3, s19  }
0x6: {  	_ =	strace $0x8000004A;
	s7 =	sadd.s32 s4, s2;
	s8 =	sadd.s32 $0x3EE00, s5  }
0x7: {  	s4 =	sor.u32 $0x1C05, s25;
	s5 =	sshrl.u32 s7, $0x3;
	s7 =	simm.s32 $0x5  }
0x8: {  	[spmem:s5], [sflag:s4] =	dma.local [hbm:s8], $0x2800  }
0x9: {  	s26 =	smul.u32 $0x5000, s1;
	_ =	swait.ge [sflag:s7], $0x2800  }
0xa: {  	s9 =	simm.s32 $0x14000;
	[sflag:s7] =	ssyncset.done $0x0  }
0xb: {  	s17 =	sadd.s32 $0xCE00, s19;
	s12 =	sshrl.u32 s26, $0x3;
	[sflag:s7] =	ssyncadd.s32 $0xFFFFD800  }
0xc: {  	s18 =	sadd.s32 $0x1E00, s19;
	s8 =	sadd.s32 s17, s12;
	[bflag:$0x0] =	sbarrier.arrive $0xFFFF  }
0xd: {  	[tilespmem:s9], [sflag:$0x1] =	stream.linear.gather [hbm4b:s8+s6], $0x80, $0x38;
	[tilespmem:$0x1C200] =	vst v63  }
0xe: {  	s10 =	simm.s32 $0x14100;
	s11 =	simm.s32 $0x1;
	s28 =	sadd.s32 s18, s12  }
0xf: {  	[tilespmem:s10], [sflag:$0x1] =	stream.linear.gather [hbm4b:s28+s6], $0x80, $0x38;
	[tilespmem:$0x1C200] =	vst v63  }
0x10: {  	_ =	swait.ge [sflag:s11], $0x80  }
0x11: {  	[sflag:s11] =	ssyncset.done $0x0  }
0x12: {  	[sflag:s11] =	ssyncadd.s32 $0xFFFFFF80  }
0x13: {  	_ =	swait.ge [sflag:s11], $0x80  }
0x14: {  	s13 =	simm.s32 $0x14200;
	s15 =	sor.u32 $0x10, s12;
	[sflag:s11] =	ssyncset.done $0x0  }
0x15: {  	s12 =	simm.s32 $0x80;
	s8 =	sadd.s32 $0x16E00, s19;
	[sflag:s11] =	ssyncadd.s32 $0xFFFFFF80  }
0x16: {  	[tilespmem:s13], [sflag:$0x3] =	stream.indirect.gather [hbm4b:s8+s12], $0x80, s9, s12, $0xb8;
	[tilespmem:$0x1C200] =	vst v63  }
0x17: {  	s14 =	simm.s32 $0x14080;
	s20 =	smul.u32 $0xA00, s1;
	s16 =	sadd.s32 s17, s15  }
0x18: {  	[tilespmem:s14], [sflag:$0x2] =	stream.linear.gather [hbm4b:s16+s6], $0x80, $0x38;
	[tilespmem:$0x1C200] =	vst v63  }
0x19: {  	s29 =	sadd.s32 s18, s15;
	s15 =	simm.s32 $0x14180;
	s16 =	simm.s32 $0x3  }
0x1a: {  	[tilespmem:s15], [sflag:$0x2] =	stream.linear.gather [hbm4b:s29+s6], $0x80, $0x38;
	[tilespmem:$0x1C200] =	vst v63  }
0x1b: {  	s17 =	sadd.s32 s20, s17;
	_ =	swait.ge [sflag:s16], $0x4000  }
0x1c: {  	s18 =	sadd.s32 s20, s18;
	s23 =	sadd.s32 $0xFFFFF620, s17;
	[sflag:s16] =	ssyncset.done $0x0  }
0x1d: {  	s24 =	sadd.s32 $0xFFFFF620, s18;
	s30 =	sadd.s32 $0xA00, s23;
	[sflag:s16] =	ssyncadd.s32 $0xFFFFC000  }
0x1e: {  	[tilespmem:s9], [sflag:$0x1] =	stream.linear.gather [hbm4b:s30+s6], $0x80, $0x38;
	[tilespmem:$0x1C200] =	vst v63  }
0x1f: {  	s20 =	simm.s32 $0x2;
	s21 =	sadd.s32 $0xA00, s24  }
0x20: {  	[tilespmem:s10], [sflag:$0x1] =	stream.linear.gather [hbm4b:s21+s6], $0x80, $0x38;
	[tilespmem:$0x1C200] =	vst v63  }
0x21: {  	_ =	swait.ge [sflag:s20], $0x80  }
0x22: {  	[sflag:s20] =	ssyncset.done $0x0  }
0x23: {  	[sflag:s20] =	ssyncadd.s32 $0xFFFFFF80  }
0x24: {  	_ =	swait.ge [sflag:s20], $0x80  }
0x25: {  	[sflag:s20] =	ssyncset.done $0x0  }
0x26: {  	s21 =	simm.s32 $0x18200;
	[sflag:s20] =	ssyncadd.s32 $0xFFFFFF80  }
0x27: {  	[tilespmem:s21], [sflag:$0x4] =	stream.indirect.gather [hbm4b:s8+s12], $0x80, s14, s12, $0xb8;
	[tilespmem:$0x1C200] =	vst v63  }
0x28: {  	_ = 	snop  }
0x29: {  	[spmem:s2] =	stream.indirect.scatter.add.f32 [tilespmem:s13], [sflag:$0x5], $0x80, s10, s12, $0xb8;
	[tilespmem:$0x1C200] =	vst v63  }
0x2a: {  	_ =	swait.ge [sflag:s7], $0x4000  }
0x2b: {  	[sflag:s7] =	ssyncset.done $0x0  }
0x2c: {  	s22 =	simm.s32 $0x4;
	[sflag:s7] =	ssyncadd.s32 $0xFFFFC000  }
0x2d: {  	_ =	swait.ge [sflag:s22], $0x4000  }
0x2e: {  	[sflag:s22] =	ssyncset.done $0x0  }
0x2f: {  	s23 =	sadd.s32 $0xA10, s23;
	[sflag:s22] =	ssyncadd.s32 $0xFFFFC000  }
0x30: {  	[tilespmem:s14], [sflag:$0x2] =	stream.linear.gather [hbm4b:s23+s6], $0x80, $0x38;
	[tilespmem:$0x1C200] =	vst v63  }
0x31: {  	s31 =	sadd.s32 $0xA10, s24  }
0x32: {  	[tilespmem:s15], [sflag:$0x2] =	stream.linear.gather [hbm4b:s31+s6], $0x80, $0x38;
	[tilespmem:$0x1C200] =	vst v63  }
0x33: {  	_ =	swait.ge [sflag:s11], $0x80  }
0x34: {  	[sflag:s11] =	ssyncset.done $0x0  }
0x35: {  	[sflag:s11] =	ssyncadd.s32 $0xFFFFFF80  }
0x36: {  	_ =	swait.ge [sflag:s11], $0x80  }
0x37: {  	[sflag:s11] =	ssyncset.done $0x0  }
0x38: {  	[sflag:s11] =	ssyncadd.s32 $0xFFFFFF80  }
0x39: {  	[tilespmem:s13], [sflag:$0x3] =	stream.indirect.gather [hbm4b:s8+s12], $0x80, s9, s12, $0xb8;
	[tilespmem:$0x1C200] =	vst v63  }
0x3a: {  	_ = 	snop  }
0x3b: {  	[spmem:s2] =	stream.indirect.scatter.add.f32 [tilespmem:s21], [sflag:$0x5], $0x80, s15, s12, $0xb8;
	[tilespmem:$0x1C200] =	vst v63  }
0x3c: {  	_ =	swait.ge [sflag:s7], $0x4000  }
0x3d: {  	s19 =	sadd.s32 $0x66E00, s19;
	s23 =	simm.s32 $0xFFFFF640;
	[sflag:s7] =	ssyncset.done $0x0  }
.LBB2_1:
0x3e: {  	p0 =	sne.s32 s23, $0xFFFFFFE0  }
0x3f: {  	[sflag:s7] =	ssyncadd.s32 $0xFFFFC000;
	s24 =	smov.u32 s23;
	s23 =	sadd.s32 $0x20, s23  }
0x40: {  	_ = 	snop  }
0x41: {  	_ =	swait.ge [sflag:s16], $0x4000  }
0x42: {  	s25 =	sadd.s32 s24, s17;
	[sflag:s16] =	ssyncset.done $0x0  }
0x43: {  	s24 =	sadd.s32 s24, s18;
	s26 =	sadd.s32 $0xA00, s25;
	[sflag:s16] =	ssyncadd.s32 $0xFFFFC000  }
0x44: {  	[tilespmem:s9], [sflag:$0x1] =	stream.linear.gather [hbm4b:s26+s6], $0x80, $0x38;
	[tilespmem:$0x1C200] =	vst v63  }
0x45: {  	s26 =	sadd.s32 $0xA00, s24  }
0x46: {  	[tilespmem:s10], [sflag:$0x1] =	stream.linear.gather [hbm4b:s26+s6], $0x80, $0x38;
	[tilespmem:$0x1C200] =	vst v63  }
0x47: {  	_ =	swait.ge [sflag:s20], $0x80  }
0x48: {  	[sflag:s20] =	ssyncset.done $0x0  }
0x49: {  	[sflag:s20] =	ssyncadd.s32 $0xFFFFFF80  }
0x4a: {  	_ =	swait.ge [sflag:s20], $0x80  }
0x4b: {  	[sflag:s20] =	ssyncset.done $0x0  }
0x4c: {  	[sflag:s20] =	ssyncadd.s32 $0xFFFFFF80  }
0x4d: {  	[tilespmem:s21], [sflag:$0x4] =	stream.indirect.gather [hbm4b:s8+s12], $0x80, s14, s12, $0xb8;
	[tilespmem:$0x1C200] =	vst v63  }
0x4e: {  	_ = 	snop  }
0x4f: {  	[spmem:s2] =	stream.indirect.scatter.add.f32 [tilespmem:s13], [sflag:$0x5], $0x80, s10, s12, $0xb8;
	[tilespmem:$0x1C200] =	vst v63  }
0x50: {  	_ =	swait.ge [sflag:s7], $0x4000  }
0x51: {  	[sflag:s7] =	ssyncset.done $0x0  }
0x52: {  	[sflag:s7] =	ssyncadd.s32 $0xFFFFC000  }
0x53: {  	_ =	swait.ge [sflag:s22], $0x4000  }
0x54: {  	[sflag:s22] =	ssyncset.done $0x0  }
0x55: {  	s25 =	sadd.s32 $0xA10, s25;
	[sflag:s22] =	ssyncadd.s32 $0xFFFFC000  }
0x56: {  	[tilespmem:s14], [sflag:$0x2] =	stream.linear.gather [hbm4b:s25+s6], $0x80, $0x38;
	[tilespmem:$0x1C200] =	vst v63  }
0x57: {  	s24 =	sadd.s32 $0xA10, s24  }
0x58: {  	[tilespmem:s15], [sflag:$0x2] =	stream.linear.gather [hbm4b:s24+s6], $0x80, $0x38;
	[tilespmem:$0x1C200] =	vst v63  }
0x59: {  	_ =	swait.ge [sflag:s11], $0x80  }
0x5a: {  	[sflag:s11] =	ssyncset.done $0x0  }
0x5b: {  	[sflag:s11] =	ssyncadd.s32 $0xFFFFFF80  }
0x5c: {  	_ =	swait.ge [sflag:s11], $0x80  }
0x5d: {  	[sflag:s11] =	ssyncset.done $0x0  }
0x5e: {  	[sflag:s11] =	ssyncadd.s32 $0xFFFFFF80  }
0x5f: {  	[tilespmem:s13], [sflag:$0x3] =	stream.indirect.gather [hbm4b:s8+s12], $0x80, s9, s12, $0xb8;
	[tilespmem:$0x1C200] =	vst v63  }
.Ltmp0:
0x60: {  	_ = 	snop;
	(pc) =	sbr.rel @p0 .LBB2_1-.Ltmp0, $4  }
0x61: {  	_ = 	snop  }
0x62: {  	[spmem:s2] =	stream.indirect.scatter.add.f32 [tilespmem:s21], [sflag:$0x5], $0x80, s15, s12, $0xb8;
	[tilespmem:$0x1C200] =	vst v63  }
0x63: {  	_ =	swait.ge [sflag:s7], $0x4000  }
0x64: {  	[sflag:s7] =	ssyncset.done $0x0  }
0x65: {  	[sflag:s7] =	ssyncadd.s32 $0xFFFFC000;
	s6 =	simm.s32 $0x3  }
0x66: {  	_ =	swait.ge [sflag:s6], $0x4000  }
0x67: {  	[sflag:s6] =	ssyncset.done $0x0  }
0x68: {  	s22 =	simm.s32 $0x2;
	[sflag:s6] =	ssyncadd.s32 $0xFFFFC000  }
0x69: {  	_ =	swait.ge [sflag:s22], $0x80  }
0x6a: {  	[sflag:s22] =	ssyncset.done $0x0  }
0x6b: {  	[sflag:s22] =	ssyncadd.s32 $0xFFFFFF80  }
0x6c: {  	_ =	swait.ge [sflag:s22], $0x80  }
0x6d: {  	s23 =	simm.s32 $0x80;
	[sflag:s22] =	ssyncset.done $0x0  }
0x6e: {  	s24 =	simm.s32 $0x14080;
	s9 =	simm.s32 $0x18200;
	[sflag:s22] =	ssyncadd.s32 $0xFFFFFF80  }
0x6f: {  	[tilespmem:s9], [sflag:$0x4] =	stream.indirect.gather [hbm4b:s8+s23], $0x80, s24, s23, $0xb8;
	[tilespmem:$0x1C200] =	vst v63  }
0x70: {  	s25 =	simm.s32 $0x14100;
	s26 =	simm.s32 $0x14200;
	s28 =	simm.s32 $0x5  }
0x71: {  	[spmem:s2] =	stream.indirect.scatter.add.f32 [tilespmem:s26], [sflag:$0x5], $0x80, s25, s23, $0xb8;
	[tilespmem:$0x1C200] =	vst v63  }
0x72: {  	_ =	swait.ge [sflag:s28], $0x4000  }
0x73: {  	[sflag:s28] =	ssyncset.done $0x0  }
0x74: {  	s29 =	simm.s32 $0x4;
	[sflag:s28] =	ssyncadd.s32 $0xFFFFC000  }
0x75: {  	_ =	swait.ge [sflag:s29], $0x4000  }
0x76: {  	[sflag:s29] =	ssyncset.done $0x0  }
0x77: {  	s30 =	simm.s32 $0x14180;
	[sflag:s29] =	ssyncadd.s32 $0xFFFFC000  }
0x78: {  	[spmem:s2] =	stream.indirect.scatter.add.f32 [tilespmem:s9], [sflag:$0x5], $0x80, s30, s23, $0xb8;
	[tilespmem:$0x1C200] =	vst v63  }
0x79: {  	_ =	swait.ge [sflag:s28], $0x4000  }
0x7a: {  	[sflag:s28] =	ssyncset.done $0x0  }
0x7b: {  	[sflag:s28] =	ssyncadd.s32 $0xFFFFC000  }
0x7c: {  	s31 =	sadd.s32 s19, s3;
	[bflag:$0x0] =	sbarrier.arrive $0xFFFF  }
0x7d: {  	[hbm:s31], [sflag:s4] =	dma.local [spmem:s5], $0x2800  }
0x7e: {  	_ =	swait.ge [sflag:s28], $0x2800  }
0x7f: {  	[sflag:s28] =	ssyncset.done $0x0  }
0x80: {  	[sflag:s28] =	ssyncadd.s32 $0xFFFFD800  }
0x81: {  	_ =	sfence.sel $0x180000  }
0x82: {  	[bflag:$0x0] =	sbarrier.arrive $0xFFFF  }
0x83: {  	p0 =	sne.s32 s1, $0x0;
	_ =	strace $0x9000004A  }
0x84: {  	s0 =	sadd.s32 @!p0 $0x100000, s0;
	[bflag:$0x2] =	sbarrier.arrive $0xFFFF  }
0x85: {  	[sflag:s0] =	ssyncadd.tile.s32 @!p0 $0x1;
	_ =	shalt  }
.Lfunc_end2:
_tile_overlayer_lowered:
.L_overlay_start_2:
0x86: {  	(tag) =	ssettag $0x2  }
0x87: {  	s0 =	rddreg [dreg:$0x0];
	s2 =	stileid.u32  }
0x88: {  	s1 =	rddreg [dreg:$0x1];
	p0 =	sne.s32 s2, $0x0  }
0x89: {  	s3 =	rddreg [dreg:$0x2];
	[bflag:$0x3] =	sbarrier.arrive $0xFFFF;
	s2 =	simm.s32 @!p0 $0x1C05  }
0x8a: {  	[timem:s3], [sflag:s2] =	dma.local @!p0 [hbm:s0], s1  }
0x8b: {  	s0 =	simm.s32 @!p0 $0x5  }
0x8c: {  	_ =	swait.ge @!p0 [sflag:s0], s1  }
0x8d: {  	s1 =	ssub.s32 @!p0 $0x0, s1;
	[sflag:s0] =	ssyncset.done @!p0 $0x0  }
0x8e: {  	[sflag:s0] =	ssyncadd.s32 @!p0 s1  }
0x8f: {  	[bflag:$0x3] =	sbarrier.arrive $0xFFFF  }
0x90: {  	_ =	shalt  }

// kernel: kernel.14.cloned.1.call-start
scs
__scs_entry_jumppad:
0x0: {  	(pc) =	sbr.rel $0x88, $3  }
0x1: {  	(tag) =	ssettag $0x0;
	lr =	simm.s32 $0x1  }
0x2: {  	[smem:$0x3F9A] =	sst lr;
	_ =	strace $0xD0000000  }
0x3: {  	_ = 	snop  }
0x4: {  	_ = 	snop  }
0x5: {  	_ = 	snop  }
0x6: {  	_ = 	snop  }
0x7: {  	_ = 	snop  }
__scs_overlays_trampoline_lowered:
0x8: {  	[smem:$0x3FA9] =	sst s0  }
0x9: {  	[smem:$0x3FAA] =	sst s1  }
0xa: {  	[smem:$0x3FAB] =	sst s2  }
0xb: {  	[smem:$0x3FAC] =	sst s3  }
0xc: {  	[smem:$0x3FAD] =	sst s4  }
0xd: {  	[smem:$0x3FAE] =	sst s5  }
0xe: {  	[smem:$0x3FAF] =	sst s6  }
0xf: {  	[smem:$0x3FB0] =	sst s7  }
0x10: {  	[smem:$0x3FB1] =	sst s8  }
0x11: {  	[smem:$0x3FB2] =	sst s9;
	s0 =	simm.s32 @!p0 $0x0  }
0x12: {  	s1 =	sld [smem:$0x3F98];
	s0 =	simm.s32 @p0 $0x1  }
0x13: {  	[smem:$0x3FB3] =	sst s0;
	s0 =	simm.s32 @!p1 $0x0  }
0x14: {  	s2 =	sld [smem:$0x3F97];
	s0 =	simm.s32 @p1 $0x1  }
0x15: {  	[smem:$0x3FB4] =	sst s0;
	s0 =	simm.s32 @!p2 $0x0  }
0x16: {  	s3 =	sld [smem:$0x3FDB];
	s0 =	simm.s32 @p2 $0x1  }
0x17: {  	s4 =	simm.s32 $0x1BF5;
	[smem:$0x3FB6] =	sst s0  }
0x18: {  	s0 =	sld [smem:$0x3F99];
	_ =	swait.ge [sflag:s4], $0x0  }
0x19: {  	s7 =	sld [smem:$0x3F9A]  }
0x1a: {  	s8 =	sadd.s32 $0xFFFFE003, lr  }
0x1b: {  	s9 =	sadd.s32 $0xFFFFFEF7, lr;
	s5 =	simm.s32 $0xFFFFFFFF;
	p2 =	slt.u32 s8, $0xFFFFF086  }
0x1c: {  	p1 =	slt.u32 s9, $0xF7A;
	s5 =	simm.s32 @!p2 $0x0  }
0x1d: {  	s5 =	simm.s32 @p1 $0x1;
	p0 =	seq.s32 s7, s2  }
0x1e: {  	s7 =	smul.u32 @!p0 $0xF7A, s2;
	p2 =	seq.s32 @!p0 s5, $0x0  }
0x1f: {  	s9 =	smul.u32 $0xF7A, s1;
	s8 =	simm.s32 @!p0 $0x1BF5;
	p2 =	por !p2, p0  }
0x20: {  	[sflag:s8] =	ssyncset.s32 @!p0 $0xFFFFF086;
	s6 =	sadd.s32 @!p0 s3, s7;
	s7 =	simm.s32 @!p0 $0x108  }
0x21: {  	s3 =	sadd.s32 s3, s9;
	s6 =	sadd.s32 @!p0 $0x88, s6;
	s7 =	simm.s32 @p2 $0x1082  }
0x22: {  	[simem:s7], [sflag:s8] =	dma.local @!p0 [hbm:s6], $0xF7A  }
0x23: {  	s9 =	sor.u32 $0xD0000000, s2;
	s6 =	simm.s32 $0x108;
	_ =	swait.ge @!p0 [sflag:s8], $0x0  }
0x24: {  	s3 =	sadd.s32 $0x88, s3;
	s6 =	simm.s32 @!p1 $0x1082;
	[sflag:s4] =	ssyncset.s32 $0xFFFFF086  }
0x25: {  	[simem:s6], [sflag:s4] =	dma.local [hbm:s3], $0xF7A  }
0x26: {  	[smem:$0x3F9A] =	sst s1;
	(tag) =	ssettag s2;
	_ =	strace s9  }
0x27: {  	s1 =	sld [smem:$0x3FAA]  }
0x28: {  	s2 =	sld [smem:$0x3FAB]  }
0x29: {  	s4 =	sld [smem:$0x3FAD]  }
0x2a: {  	p0 =	seq.s32 s5, $0x0;
	s5 =	sld [smem:$0x3FAE]  }
0x2b: {  	s6 =	sld [smem:$0x3FAF]  }
0x2c: {  	s7 =	sld [smem:$0x3FB0]  }
0x2d: {  	s3 =	simm.s32 $0x108;
	s8 =	sld [smem:$0x3FB1]  }
0x2e: {  	s3 =	simm.s32 @!p0 $0x1082;
	s9 =	sld [smem:$0x3FB2]  }
0x2f: {  	lr =	sadd.s32 s0, s3;
	s0 =	sld [smem:$0x3FA9]  }
0x30: {  	s3 =	sld [smem:$0x3FAC]  }
0x31: {  	[smem:$0x3FB5] =	sst s10  }
0x32: {  	s10 =	sld [smem:$0x3FB3];
	_ =	sdelay $0x3  }
0x33: {  	p0 =	seq.s32 s10, $0x1;
	s10 =	sld [smem:$0x3FB5];
	_ =	sdelay $0x3  }
0x34: {  	[smem:$0x3FB5] =	sst s10  }
0x35: {  	s10 =	sld [smem:$0x3FB4];
	_ =	sdelay $0x3  }
0x36: {  	p1 =	seq.s32 s10, $0x1;
	s10 =	sld [smem:$0x3FB5];
	_ =	sdelay $0x3  }
0x37: {  	[smem:$0x3FB5] =	sst s10  }
0x38: {  	s10 =	sld [smem:$0x3FB6]  }
0x39: {  	_ = 	snop;
	(pc) =	sbr.ind lr, $3  }
0x3a: {  	_ = 	snop  }
0x3b: {  	_ = 	snop  }
0x3c: {  	p2 =	seq.s32 s10, $0x1;
	s10 =	sld [smem:$0x3FB5]  }
0x3d: {  	_ =	shalt  }
0x3e: {  	_ =	shalt  }
0x3f: {  	_ =	shalt  }
0x40: {  	_ =	shalt  }
0x41: {  	_ =	shalt  }
0x42: {  	_ =	shalt  }
0x43: {  	_ =	shalt  }
0x44: {  	_ =	shalt  }
0x45: {  	_ =	shalt  }
0x46: {  	_ =	shalt  }
0x47: {  	_ =	shalt  }
0x48: {  	_ =	shalt  }
0x49: {  	_ =	shalt  }
0x4a: {  	_ =	shalt  }
0x4b: {  	_ =	shalt  }
0x4c: {  	_ =	shalt  }
0x4d: {  	_ =	shalt  }
0x4e: {  	_ =	shalt  }
0x4f: {  	_ =	shalt  }
0x50: {  	_ =	shalt  }
0x51: {  	_ =	shalt  }
0x52: {  	_ =	shalt  }
0x53: {  	_ =	shalt  }
0x54: {  	_ =	shalt  }
0x55: {  	_ =	shalt  }
0x56: {  	_ =	shalt  }
0x57: {  	_ =	shalt  }
0x58: {  	_ =	shalt  }
0x59: {  	_ =	shalt  }
0x5a: {  	_ =	shalt  }
0x5b: {  	_ =	shalt  }
0x5c: {  	_ =	shalt  }
0x5d: {  	_ =	shalt  }
0x5e: {  	_ =	shalt  }
0x5f: {  	_ =	shalt  }
0x60: {  	_ =	shalt  }
0x61: {  	_ =	shalt  }
0x62: {  	_ =	shalt  }
0x63: {  	_ =	shalt  }
0x64: {  	_ =	shalt  }
0x65: {  	_ =	shalt  }
0x66: {  	_ =	shalt  }
0x67: {  	_ =	shalt  }
0x68: {  	_ =	shalt  }
0x69: {  	_ =	shalt  }
0x6a: {  	_ =	shalt  }
0x6b: {  	_ =	shalt  }
0x6c: {  	_ =	shalt  }
0x6d: {  	_ =	shalt  }
0x6e: {  	_ =	shalt  }
0x6f: {  	_ =	shalt  }
0x70: {  	_ =	shalt  }
0x71: {  	_ =	shalt  }
0x72: {  	_ =	shalt  }
0x73: {  	_ =	shalt  }
0x74: {  	_ =	shalt  }
0x75: {  	_ =	shalt  }
0x76: {  	_ =	shalt  }
0x77: {  	_ =	shalt  }
0x78: {  	_ =	shalt  }
0x79: {  	_ =	shalt  }
0x7a: {  	_ =	shalt  }
0x7b: {  	_ =	shalt  }
0x7c: {  	_ =	shalt  }
0x7d: {  	_ =	shalt  }
0x7e: {  	_ =	shalt  }
0x7f: {  	_ =	shalt  }
0x80: {  	_ =	shalt  }
0x81: {  	_ =	shalt  }
0x82: {  	_ =	shalt  }
0x83: {  	_ =	shalt  }
0x84: {  	_ =	shalt  }
0x85: {  	_ =	shalt  }
0x86: {  	_ =	shalt  }
0x87: {  	_ =	shalt  }
.Lfunc_end0:
.L_simem_size_0:
called_computation.2_lowered:
.L_overlay_start_0:
0x88: {  	s0 =	sld [smem:$0x3FD9]  }
0x89: {  	s1 =	sld [smem:$0x3FFE];
	_ =	sdelay $0x3  }
0x8a: {  	s0 =	sadd.s32 s1, s0  }
0x8b: {  	[smem:$0x3FC1] =	sst s0  }
0x8c: {  	_ = 	snop  }
0x8d: {  	(tm) =	ssettm $0x1  }
0x8e: {  	s15 =	sld [smem:$0x3FFB];
	_ =	sdelay $0x3  }
0x8f: {  	_ =	strace s15  }
0x90: {  	s0 =	sld [smem:$0x3FFC];
	_ =	sdelay $0x3  }
0x91: {  	_ =	strace s0  }
0x92: {  	s0 =	sld [smem:$0x3FFD];
	_ =	sdelay $0x3  }
0x93: {  	_ =	strace s0  }
0x94: {  	_ =	strace $0x8FFFFFFF  }
0x95: {  	s16 =	sld [smem:$0x3FDB];
	_ =	sdelay $0x1  }
0x96: {  	s17 =	simm.s32 $_scs_section_size  }
0x97: {  	s2 =	simm.s32 $_size__tile_overlayer_lowered;
	s3 =	simm.s32 $_tile_overlayer_lowered  }
0x98: {  	s20 =	simm.s32 $0x1BFF;
	s19 =	sshll.u32 s3, $0x1;
	s0 =	sadd.s32 s17, s16  }
0x99: {  	s4 =	simm.s32 $0x0;
	s18 =	sshll.u32 s2, $0x1;
	s2 =	sadd.s32 s19, s0  }
0x9a: {  	[timem:s4], [sflag:s20] =	dma.local [hbm:s2], s18  }
0x9b: {  	_ =	swait.ge [sflag:s20], s18  }
0x9c: {  	s1 =	ssub.s32 $0x0, s18;
	[sflag:s20] =	ssyncset.done $0x0  }
0x9d: {  	[sflag:s20] =	ssyncadd.s32 s1;
	_ =	sdelay $0x1  }
0x9e: {  	s21 =	simm.s32 $0x1B8B  }
0x9f: {  	_ =	swait.ge [sflag:s21], $0x1  }
0xa0: {  	[sflag:s21] =	ssyncset.done $0x0  }
0xa1: {  	s23 =	simm.s32 $0x1B8E;
	s22 =	sld [smem:$0x3FFE];
	[sflag:s21] =	ssyncadd.s32 $0xFFFFFFFF  }
0xa2: {  	s24 =	simm.s32 $execute0_lowered;
	[smem:$0x3FD2] =	sst s23  }
0xa3: {  	s2 =	sshll.u32 s24, $0x1;
	_ =	strace $0x8000004C;
	[dreg:$0x1] =	wrdreg $0xFFFFFFFF  }
0xa4: {  	s25 =	simm.s32 $_size_execute0_lowered;
	s0 =	sadd.s32 s0, s2;
	[dreg:$0x0] =	wrdreg $0x0  }
0xa5: {  	s2 =	sshll.u32 s25, $0x1;
	[dreg:$0x2] =	wrdreg s0  }
0xa6: {  	[dreg:$0x3] =	wrdreg s2  }
0xa7: {  	[dreg:$0x4] =	wrdreg $0xC0  }
0xa8: {  	_ =	task [dreg:s4], $0x5FFFF  }
0xa9: {  	[dreg:$0x1] =	wrdreg $0xFFFFFFFF  }
0xaa: {  	[dreg:$0x0] =	wrdreg $0x60  }
0xab: {  	[dreg:$0x2] =	wrdreg s22  }
0xac: {  	[dreg:$0x3] =	wrdreg $0x0  }
0xad: {  	[dreg:$0x4] =	wrdreg $0x9  }
0xae: {  	_ =	task.clear_ibuf [dreg:s4], $0x5FFFF;
	_ =	strace $0x9000004C  }
0xaf: {  	s26 =	simm.s32 $0x9;
	_ =	strace $0x8000004E  }
0xb0: {  	_ =	swait.ge [sflag:s26], $0x1  }
0xb1: {  	[sflag:s26] =	ssyncadd.s32 $0xFFFFFFFF  }
0xb2: {  	_ =	strace $0x9000004E  }
0xb3: {  	_ =	sfence  }
0xb4: {  	s28 =	sld [smem:$0x0];
	_ =	sdelay $0x1  }
0xb5: {  	s29 =	srdreg.scid  }
0xb6: {  	s30 =	sshll.u32 s29, $0xD;
	s31 =	sshrl.u32 s29, $0x2  }
0xb7: {  	s1 =	sand.u32 $0x1, s29;
	s2 =	sand.u32 $0x4000, s30;
	s0 =	sadd.s32 s31, s28  }
0xb8: {  	s1 =	sor.u32 s2, s1;
	s0 =	sshll.u32 s0, $0x11  }
0xb9: {  	s0 =	sor.u32 s0, s1  }
0xba: {  	s0 =	sadd.s32 $0x8F2B, s0  }
0xbb: {  	[sflag:s0] =	ssyncadd.remote.s32 $0x1  }
0xbc: {  	_ =	sfence.sel $0xFFFF  }
0xbd: {  	[dreg:$0x0] =	wrdreg $0xFFFFFFFF;
	(pc) =	sbr.abs _section_cstart, $3  }
0xbe: {  	[dreg:$0x1] =	wrdreg $0xFFFFFFFF  }
0xbf: {  	_ =	task.clear_ibuf [dreg:s4], $0x2FFFF;
	_ =	strace $0x9FFFFFFF  }
0xc0: {  	(tm) =	ssettm $0x7FFFFFFF  }
0xc1: {  	_ =	shalt  }
tec
execute0_lowered:
.L_overlay_start_1:
0x0: {  	(tag) =	ssettag $0x1  }
0x1: {  	s19 =	rddreg [dreg:$0x0];
	s1 =	stileid.u32  }
0x2: {  	s2 =	rddreg [dreg:$0x1];
	s4 =	smul.u32 $0x50000, s1  }
0x3: {  	s0 =	rddreg [dreg:$0x2];
	s6 =	simm.s32 $0x0;
	s3 =	smul.u32 $0x2800, s1  }
0x4: {  	[smem:$0x7FF] =	sst s6  }
0x5: {  	s25 =	sshll.u32 s1, $0x6;
	s4 =	sshrl.u32 s4, $0x2;
	s5 =	sadd.s32 s3, s19  }
0x6: {  	_ =	strace $0x8000004D;
	s7 =	sadd.s32 s4, s2;
	s8 =	sadd.s32 $0x3EE00, s5  }
0x7: {  	s4 =	sor.u32 $0x1C05, s25;
	s5 =	sshrl.u32 s7, $0x3;
	s7 =	simm.s32 $0x5  }
0x8: {  	[spmem:s5], [sflag:s4] =	dma.local [hbm:s8], $0x2800  }
0x9: {  	s26 =	smul.u32 $0x5000, s1;
	_ =	swait.ge [sflag:s7], $0x2800  }
0xa: {  	s9 =	simm.s32 $0x14000;
	[sflag:s7] =	ssyncset.done $0x0  }
0xb: {  	s17 =	sadd.s32 $0xCE00, s19;
	s12 =	sshrl.u32 s26, $0x3;
	[sflag:s7] =	ssyncadd.s32 $0xFFFFD800  }
0xc: {  	s18 =	sadd.s32 $0x1E00, s19;
	s8 =	sadd.s32 s17, s12;
	[bflag:$0x0] =	sbarrier.arrive $0xFFFF  }
0xd: {  	[tilespmem:s9], [sflag:$0x1] =	stream.linear.gather [hbm4b:s8+s6], $0x80, $0x38;
	[tilespmem:$0x1C200] =	vst v63  }
0xe: {  	s10 =	simm.s32 $0x14100;
	s11 =	simm.s32 $0x1;
	s28 =	sadd.s32 s18, s12  }
0xf: {  	[tilespmem:s10], [sflag:$0x1] =	stream.linear.gather [hbm4b:s28+s6], $0x80, $0x38;
	[tilespmem:$0x1C200] =	vst v63  }
0x10: {  	_ =	swait.ge [sflag:s11], $0x80  }
0x11: {  	[sflag:s11] =	ssyncset.done $0x0  }
0x12: {  	[sflag:s11] =	ssyncadd.s32 $0xFFFFFF80  }
0x13: {  	_ =	swait.ge [sflag:s11], $0x80  }
0x14: {  	s13 =	simm.s32 $0x14200;
	s15 =	sor.u32 $0x10, s12;
	[sflag:s11] =	ssyncset.done $0x0  }
0x15: {  	s12 =	simm.s32 $0x80;
	s8 =	sadd.s32 $0x16E00, s19;
	[sflag:s11] =	ssyncadd.s32 $0xFFFFFF80  }
0x16: {  	[tilespmem:s13], [sflag:$0x3] =	stream.indirect.gather [hbm4b:s8+s12], $0x80, s9, s12, $0xb8;
	[tilespmem:$0x1C200] =	vst v63  }
0x17: {  	s14 =	simm.s32 $0x14080;
	s20 =	smul.u32 $0xA00, s1;
	s16 =	sadd.s32 s17, s15  }
0x18: {  	[tilespmem:s14], [sflag:$0x2] =	stream.linear.gather [hbm4b:s16+s6], $0x80, $0x38;
	[tilespmem:$0x1C200] =	vst v63  }
0x19: {  	s29 =	sadd.s32 s18, s15;
	s15 =	simm.s32 $0x14180;
	s16 =	simm.s32 $0x3  }
0x1a: {  	[tilespmem:s15], [sflag:$0x2] =	stream.linear.gather [hbm4b:s29+s6], $0x80, $0x38;
	[tilespmem:$0x1C200] =	vst v63  }
0x1b: {  	s17 =	sadd.s32 s20, s17;
	_ =	swait.ge [sflag:s16], $0x4000  }
0x1c: {  	s18 =	sadd.s32 s20, s18;
	s23 =	sadd.s32 $0xFFFFF620, s17;
	[sflag:s16] =	ssyncset.done $0x0  }
0x1d: {  	s24 =	sadd.s32 $0xFFFFF620, s18;
	s30 =	sadd.s32 $0xA00, s23;
	[sflag:s16] =	ssyncadd.s32 $0xFFFFC000  }
0x1e: {  	[tilespmem:s9], [sflag:$0x1] =	stream.linear.gather [hbm4b:s30+s6], $0x80, $0x38;
	[tilespmem:$0x1C200] =	vst v63  }
0x1f: {  	s20 =	simm.s32 $0x2;
	s21 =	sadd.s32 $0xA00, s24  }
0x20: {  	[tilespmem:s10], [sflag:$0x1] =	stream.linear.gather [hbm4b:s21+s6], $0x80, $0x38;
	[tilespmem:$0x1C200] =	vst v63  }
0x21: {  	_ =	swait.ge [sflag:s20], $0x80  }
0x22: {  	[sflag:s20] =	ssyncset.done $0x0  }
0x23: {  	[sflag:s20] =	ssyncadd.s32 $0xFFFFFF80  }
0x24: {  	_ =	swait.ge [sflag:s20], $0x80  }
0x25: {  	[sflag:s20] =	ssyncset.done $0x0  }
0x26: {  	s21 =	simm.s32 $0x18200;
	[sflag:s20] =	ssyncadd.s32 $0xFFFFFF80  }
0x27: {  	[tilespmem:s21], [sflag:$0x4] =	stream.indirect.gather [hbm4b:s8+s12], $0x80, s14, s12, $0xb8;
	[tilespmem:$0x1C200] =	vst v63  }
0x28: {  	_ = 	snop  }
0x29: {  	[spmem:s2] =	stream.indirect.scatter.add.f32 [tilespmem:s13], [sflag:$0x5], $0x80, s10, s12, $0xb8;
	[tilespmem:$0x1C200] =	vst v63  }
0x2a: {  	_ =	swait.ge [sflag:s7], $0x4000  }
0x2b: {  	[sflag:s7] =	ssyncset.done $0x0  }
0x2c: {  	s22 =	simm.s32 $0x4;
	[sflag:s7] =	ssyncadd.s32 $0xFFFFC000  }
0x2d: {  	_ =	swait.ge [sflag:s22], $0x4000  }
0x2e: {  	[sflag:s22] =	ssyncset.done $0x0  }
0x2f: {  	s23 =	sadd.s32 $0xA10, s23;
	[sflag:s22] =	ssyncadd.s32 $0xFFFFC000  }
0x30: {  	[tilespmem:s14], [sflag:$0x2] =	stream.linear.gather [hbm4b:s23+s6], $0x80, $0x38;
	[tilespmem:$0x1C200] =	vst v63  }
0x31: {  	s31 =	sadd.s32 $0xA10, s24  }
0x32: {  	[tilespmem:s15], [sflag:$0x2] =	stream.linear.gather [hbm4b:s31+s6], $0x80, $0x38;
	[tilespmem:$0x1C200] =	vst v63  }
0x33: {  	_ =	swait.ge [sflag:s11], $0x80  }
0x34: {  	[sflag:s11] =	ssyncset.done $0x0  }
0x35: {  	[sflag:s11] =	ssyncadd.s32 $0xFFFFFF80  }
0x36: {  	_ =	swait.ge [sflag:s11], $0x80  }
0x37: {  	[sflag:s11] =	ssyncset.done $0x0  }
0x38: {  	[sflag:s11] =	ssyncadd.s32 $0xFFFFFF80  }
0x39: {  	[tilespmem:s13], [sflag:$0x3] =	stream.indirect.gather [hbm4b:s8+s12], $0x80, s9, s12, $0xb8;
	[tilespmem:$0x1C200] =	vst v63  }
0x3a: {  	_ = 	snop  }
0x3b: {  	[spmem:s2] =	stream.indirect.scatter.add.f32 [tilespmem:s21], [sflag:$0x5], $0x80, s15, s12, $0xb8;
	[tilespmem:$0x1C200] =	vst v63  }
0x3c: {  	_ =	swait.ge [sflag:s7], $0x4000  }
0x3d: {  	s19 =	sadd.s32 $0x66E00, s19;
	s23 =	simm.s32 $0xFFFFF640;
	[sflag:s7] =	ssyncset.done $0x0  }
.LBB2_1:
0x3e: {  	p0 =	sne.s32 s23, $0xFFFFFFE0  }
0x3f: {  	[sflag:s7] =	ssyncadd.s32 $0xFFFFC000;
	s24 =	smov.u32 s23;
	s23 =	sadd.s32 $0x20, s23  }
0x40: {  	_ = 	snop  }
0x41: {  	_ =	swait.ge [sflag:s16], $0x4000  }
0x42: {  	s25 =	sadd.s32 s24, s17;
	[sflag:s16] =	ssyncset.done $0x0  }
0x43: {  	s24 =	sadd.s32 s24, s18;
	s26 =	sadd.s32 $0xA00, s25;
	[sflag:s16] =	ssyncadd.s32 $0xFFFFC000  }
0x44: {  	[tilespmem:s9], [sflag:$0x1] =	stream.linear.gather [hbm4b:s26+s6], $0x80, $0x38;
	[tilespmem:$0x1C200] =	vst v63  }
0x45: {  	s26 =	sadd.s32 $0xA00, s24  }
0x46: {  	[tilespmem:s10], [sflag:$0x1] =	stream.linear.gather [hbm4b:s26+s6], $0x80, $0x38;
	[tilespmem:$0x1C200] =	vst v63  }
0x47: {  	_ =	swait.ge [sflag:s20], $0x80  }
0x48: {  	[sflag:s20] =	ssyncset.done $0x0  }
0x49: {  	[sflag:s20] =	ssyncadd.s32 $0xFFFFFF80  }
0x4a: {  	_ =	swait.ge [sflag:s20], $0x80  }
0x4b: {  	[sflag:s20] =	ssyncset.done $0x0  }
0x4c: {  	[sflag:s20] =	ssyncadd.s32 $0xFFFFFF80  }
0x4d: {  	[tilespmem:s21], [sflag:$0x4] =	stream.indirect.gather [hbm4b:s8+s12], $0x80, s14, s12, $0xb8;
	[tilespmem:$0x1C200] =	vst v63  }
0x4e: {  	_ = 	snop  }
0x4f: {  	[spmem:s2] =	stream.indirect.scatter.add.f32 [tilespmem:s13], [sflag:$0x5], $0x80, s10, s12, $0xb8;
	[tilespmem:$0x1C200] =	vst v63  }
0x50: {  	_ =	swait.ge [sflag:s7], $0x4000  }
0x51: {  	[sflag:s7] =	ssyncset.done $0x0  }
0x52: {  	[sflag:s7] =	ssyncadd.s32 $0xFFFFC000  }
0x53: {  	_ =	swait.ge [sflag:s22], $0x4000  }
0x54: {  	[sflag:s22] =	ssyncset.done $0x0  }
0x55: {  	s25 =	sadd.s32 $0xA10, s25;
	[sflag:s22] =	ssyncadd.s32 $0xFFFFC000  }
0x56: {  	[tilespmem:s14], [sflag:$0x2] =	stream.linear.gather [hbm4b:s25+s6], $0x80, $0x38;
	[tilespmem:$0x1C200] =	vst v63  }
0x57: {  	s24 =	sadd.s32 $0xA10, s24  }
0x58: {  	[tilespmem:s15], [sflag:$0x2] =	stream.linear.gather [hbm4b:s24+s6], $0x80, $0x38;
	[tilespmem:$0x1C200] =	vst v63  }
0x59: {  	_ =	swait.ge [sflag:s11], $0x80  }
0x5a: {  	[sflag:s11] =	ssyncset.done $0x0  }
0x5b: {  	[sflag:s11] =	ssyncadd.s32 $0xFFFFFF80  }
0x5c: {  	_ =	swait.ge [sflag:s11], $0x80  }
0x5d: {  	[sflag:s11] =	ssyncset.done $0x0  }
0x5e: {  	[sflag:s11] =	ssyncadd.s32 $0xFFFFFF80  }
0x5f: {  	[tilespmem:s13], [sflag:$0x3] =	stream.indirect.gather [hbm4b:s8+s12], $0x80, s9, s12, $0xb8;
	[tilespmem:$0x1C200] =	vst v63  }
.Ltmp0:
0x60: {  	_ = 	snop;
	(pc) =	sbr.rel @p0 .LBB2_1-.Ltmp0, $4  }
0x61: {  	_ = 	snop  }
0x62: {  	[spmem:s2] =	stream.indirect.scatter.add.f32 [tilespmem:s21], [sflag:$0x5], $0x80, s15, s12, $0xb8;
	[tilespmem:$0x1C200] =	vst v63  }
0x63: {  	_ =	swait.ge [sflag:s7], $0x4000  }
0x64: {  	[sflag:s7] =	ssyncset.done $0x0  }
0x65: {  	[sflag:s7] =	ssyncadd.s32 $0xFFFFC000;
	s6 =	simm.s32 $0x3  }
0x66: {  	_ =	swait.ge [sflag:s6], $0x4000  }
0x67: {  	[sflag:s6] =	ssyncset.done $0x0  }
0x68: {  	s22 =	simm.s32 $0x2;
	[sflag:s6] =	ssyncadd.s32 $0xFFFFC000  }
0x69: {  	_ =	swait.ge [sflag:s22], $0x80  }
0x6a: {  	[sflag:s22] =	ssyncset.done $0x0  }
0x6b: {  	[sflag:s22] =	ssyncadd.s32 $0xFFFFFF80  }
0x6c: {  	_ =	swait.ge [sflag:s22], $0x80  }
0x6d: {  	s23 =	simm.s32 $0x80;
	[sflag:s22] =	ssyncset.done $0x0  }
0x6e: {  	s24 =	simm.s32 $0x14080;
	s9 =	simm.s32 $0x18200;
	[sflag:s22] =	ssyncadd.s32 $0xFFFFFF80  }
0x6f: {  	[tilespmem:s9], [sflag:$0x4] =	stream.indirect.gather [hbm4b:s8+s23], $0x80, s24, s23, $0xb8;
	[tilespmem:$0x1C200] =	vst v63  }
0x70: {  	s25 =	simm.s32 $0x14100;
	s26 =	simm.s32 $0x14200;
	s28 =	simm.s32 $0x5  }
0x71: {  	[spmem:s2] =	stream.indirect.scatter.add.f32 [tilespmem:s26], [sflag:$0x5], $0x80, s25, s23, $0xb8;
	[tilespmem:$0x1C200] =	vst v63  }
0x72: {  	_ =	swait.ge [sflag:s28], $0x4000  }
0x73: {  	[sflag:s28] =	ssyncset.done $0x0  }
0x74: {  	s29 =	simm.s32 $0x4;
	[sflag:s28] =	ssyncadd.s32 $0xFFFFC000  }
0x75: {  	_ =	swait.ge [sflag:s29], $0x4000  }
0x76: {  	[sflag:s29] =	ssyncset.done $0x0  }
0x77: {  	s30 =	simm.s32 $0x14180;
	[sflag:s29] =	ssyncadd.s32 $0xFFFFC000  }
0x78: {  	[spmem:s2] =	stream.indirect.scatter.add.f32 [tilespmem:s9], [sflag:$0x5], $0x80, s30, s23, $0xb8;
	[tilespmem:$0x1C200] =	vst v63  }
0x79: {  	_ =	swait.ge [sflag:s28], $0x4000  }
0x7a: {  	[sflag:s28] =	ssyncset.done $0x0  }
0x7b: {  	[sflag:s28] =	ssyncadd.s32 $0xFFFFC000  }
0x7c: {  	s31 =	sadd.s32 s19, s3;
	[bflag:$0x0] =	sbarrier.arrive $0xFFFF  }
0x7d: {  	[hbm:s31], [sflag:s4] =	dma.local [spmem:s5], $0x2800  }
0x7e: {  	_ =	swait.ge [sflag:s28], $0x2800  }
0x7f: {  	[sflag:s28] =	ssyncset.done $0x0  }
0x80: {  	[sflag:s28] =	ssyncadd.s32 $0xFFFFD800  }
0x81: {  	_ =	sfence.sel $0x180000  }
0x82: {  	[bflag:$0x0] =	sbarrier.arrive $0xFFFF  }
0x83: {  	p0 =	sne.s32 s1, $0x0;
	_ =	strace $0x9000004D  }
0x84: {  	s0 =	sadd.s32 @!p0 $0x100000, s0;
	[bflag:$0x2] =	sbarrier.arrive $0xFFFF  }
0x85: {  	[sflag:s0] =	ssyncadd.tile.s32 @!p0 $0x1;
	_ =	shalt  }
.Lfunc_end2:
_tile_overlayer_lowered:
.L_overlay_start_2:
0x86: {  	(tag) =	ssettag $0x2  }
0x87: {  	s0 =	rddreg [dreg:$0x0];
	s2 =	stileid.u32  }
0x88: {  	s1 =	rddreg [dreg:$0x1];
	p0 =	sne.s32 s2, $0x0  }
0x89: {  	s3 =	rddreg [dreg:$0x2];
	[bflag:$0x3] =	sbarrier.arrive $0xFFFF;
	s2 =	simm.s32 @!p0 $0x1C05  }
0x8a: {  	[timem:s3], [sflag:s2] =	dma.local @!p0 [hbm:s0], s1  }
0x8b: {  	s0 =	simm.s32 @!p0 $0x5  }
0x8c: {  	_ =	swait.ge @!p0 [sflag:s0], s1  }
0x8d: {  	s1 =	ssub.s32 @!p0 $0x0, s1;
	[sflag:s0] =	ssyncset.done @!p0 $0x0  }
0x8e: {  	[sflag:s0] =	ssyncadd.s32 @!p0 s1  }
0x8f: {  	[bflag:$0x3] =	sbarrier.arrive $0xFFFF  }
0x90: {  	_ =	shalt  }

// kernel: kernel.8.cloned.1.call-start
scs
__scs_entry_jumppad:
0x0: {  	(pc) =	sbr.rel $0x88, $3  }
0x1: {  	(tag) =	ssettag $0x0;
	lr =	simm.s32 $0x1  }
0x2: {  	[smem:$0x3F9A] =	sst lr;
	_ =	strace $0xD0000000  }
0x3: {  	_ = 	snop  }
0x4: {  	_ = 	snop  }
0x5: {  	_ = 	snop  }
0x6: {  	_ = 	snop  }
0x7: {  	_ = 	snop  }
__scs_overlays_trampoline_lowered:
0x8: {  	[smem:$0x3FA9] =	sst s0  }
0x9: {  	[smem:$0x3FAA] =	sst s1  }
0xa: {  	[smem:$0x3FAB] =	sst s2  }
0xb: {  	[smem:$0x3FAC] =	sst s3  }
0xc: {  	[smem:$0x3FAD] =	sst s4  }
0xd: {  	[smem:$0x3FAE] =	sst s5  }
0xe: {  	[smem:$0x3FAF] =	sst s6  }
0xf: {  	[smem:$0x3FB0] =	sst s7  }
0x10: {  	[smem:$0x3FB1] =	sst s8  }
0x11: {  	[smem:$0x3FB2] =	sst s9;
	s0 =	simm.s32 @!p0 $0x0  }
0x12: {  	s1 =	sld [smem:$0x3F98];
	s0 =	simm.s32 @p0 $0x1  }
0x13: {  	[smem:$0x3FB3] =	sst s0;
	s0 =	simm.s32 @!p1 $0x0  }
0x14: {  	s2 =	sld [smem:$0x3F97];
	s0 =	simm.s32 @p1 $0x1  }
0x15: {  	[smem:$0x3FB4] =	sst s0;
	s0 =	simm.s32 @!p2 $0x0  }
0x16: {  	s3 =	sld [smem:$0x3FDB];
	s0 =	simm.s32 @p2 $0x1  }
0x17: {  	s4 =	simm.s32 $0x1BF5;
	[smem:$0x3FB6] =	sst s0  }
0x18: {  	s0 =	sld [smem:$0x3F99];
	_ =	swait.ge [sflag:s4], $0x0  }
0x19: {  	s7 =	sld [smem:$0x3F9A]  }
0x1a: {  	s8 =	sadd.s32 $0xFFFFE003, lr  }
0x1b: {  	s9 =	sadd.s32 $0xFFFFFEF7, lr;
	s5 =	simm.s32 $0xFFFFFFFF;
	p2 =	slt.u32 s8, $0xFFFFF086  }
0x1c: {  	p1 =	slt.u32 s9, $0xF7A;
	s5 =	simm.s32 @!p2 $0x0  }
0x1d: {  	s5 =	simm.s32 @p1 $0x1;
	p0 =	seq.s32 s7, s2  }
0x1e: {  	s7 =	smul.u32 @!p0 $0xF7A, s2;
	p2 =	seq.s32 @!p0 s5, $0x0  }
0x1f: {  	s9 =	smul.u32 $0xF7A, s1;
	s8 =	simm.s32 @!p0 $0x1BF5;
	p2 =	por !p2, p0  }
0x20: {  	[sflag:s8] =	ssyncset.s32 @!p0 $0xFFFFF086;
	s6 =	sadd.s32 @!p0 s3, s7;
	s7 =	simm.s32 @!p0 $0x108  }
0x21: {  	s3 =	sadd.s32 s3, s9;
	s6 =	sadd.s32 @!p0 $0x88, s6;
	s7 =	simm.s32 @p2 $0x1082  }
0x22: {  	[simem:s7], [sflag:s8] =	dma.local @!p0 [hbm:s6], $0xF7A  }
0x23: {  	s9 =	sor.u32 $0xD0000000, s2;
	s6 =	simm.s32 $0x108;
	_ =	swait.ge @!p0 [sflag:s8], $0x0  }
0x24: {  	s3 =	sadd.s32 $0x88, s3;
	s6 =	simm.s32 @!p1 $0x1082;
	[sflag:s4] =	ssyncset.s32 $0xFFFFF086  }
0x25: {  	[simem:s6], [sflag:s4] =	dma.local [hbm:s3], $0xF7A  }
0x26: {  	[smem:$0x3F9A] =	sst s1;
	(tag) =	ssettag s2;
	_ =	strace s9  }
0x27: {  	s1 =	sld [smem:$0x3FAA]  }
0x28: {  	s2 =	sld [smem:$0x3FAB]  }
0x29: {  	s4 =	sld [smem:$0x3FAD]  }
0x2a: {  	p0 =	seq.s32 s5, $0x0;
	s5 =	sld [smem:$0x3FAE]  }
0x2b: {  	s6 =	sld [smem:$0x3FAF]  }
0x2c: {  	s7 =	sld [smem:$0x3FB0]  }
0x2d: {  	s3 =	simm.s32 $0x108;
	s8 =	sld [smem:$0x3FB1]  }
0x2e: {  	s3 =	simm.s32 @!p0 $0x1082;
	s9 =	sld [smem:$0x3FB2]  }
0x2f: {  	lr =	sadd.s32 s0, s3;
	s0 =	sld [smem:$0x3FA9]  }
0x30: {  	s3 =	sld [smem:$0x3FAC]  }
0x31: {  	[smem:$0x3FB5] =	sst s10  }
0x32: {  	s10 =	sld [smem:$0x3FB3];
	_ =	sdelay $0x3  }
0x33: {  	p0 =	seq.s32 s10, $0x1;
	s10 =	sld [smem:$0x3FB5];
	_ =	sdelay $0x3  }
0x34: {  	[smem:$0x3FB5] =	sst s10  }
0x35: {  	s10 =	sld [smem:$0x3FB4];
	_ =	sdelay $0x3  }
0x36: {  	p1 =	seq.s32 s10, $0x1;
	s10 =	sld [smem:$0x3FB5];
	_ =	sdelay $0x3  }
0x37: {  	[smem:$0x3FB5] =	sst s10  }
0x38: {  	s10 =	sld [smem:$0x3FB6]  }
0x39: {  	_ = 	snop;
	(pc) =	sbr.ind lr, $3  }
0x3a: {  	_ = 	snop  }
0x3b: {  	_ = 	snop  }
0x3c: {  	p2 =	seq.s32 s10, $0x1;
	s10 =	sld [smem:$0x3FB5]  }
0x3d: {  	_ =	shalt  }
0x3e: {  	_ =	shalt  }
0x3f: {  	_ =	shalt  }
0x40: {  	_ =	shalt  }
0x41: {  	_ =	shalt  }
0x42: {  	_ =	shalt  }
0x43: {  	_ =	shalt  }
0x44: {  	_ =	shalt  }
0x45: {  	_ =	shalt  }
0x46: {  	_ =	shalt  }
0x47: {  	_ =	shalt  }
0x48: {  	_ =	shalt  }
0x49: {  	_ =	shalt  }
0x4a: {  	_ =	shalt  }
0x4b: {  	_ =	shalt  }
0x4c: {  	_ =	shalt  }
0x4d: {  	_ =	shalt  }
0x4e: {  	_ =	shalt  }
0x4f: {  	_ =	shalt  }
0x50: {  	_ =	shalt  }
0x51: {  	_ =	shalt  }
0x52: {  	_ =	shalt  }
0x53: {  	_ =	shalt  }
0x54: {  	_ =	shalt  }
0x55: {  	_ =	shalt  }
0x56: {  	_ =	shalt  }
0x57: {  	_ =	shalt  }
0x58: {  	_ =	shalt  }
0x59: {  	_ =	shalt  }
0x5a: {  	_ =	shalt  }
0x5b: {  	_ =	shalt  }
0x5c: {  	_ =	shalt  }
0x5d: {  	_ =	shalt  }
0x5e: {  	_ =	shalt  }
0x5f: {  	_ =	shalt  }
0x60: {  	_ =	shalt  }
0x61: {  	_ =	shalt  }
0x62: {  	_ =	shalt  }
0x63: {  	_ =	shalt  }
0x64: {  	_ =	shalt  }
0x65: {  	_ =	shalt  }
0x66: {  	_ =	shalt  }
0x67: {  	_ =	shalt  }
0x68: {  	_ =	shalt  }
0x69: {  	_ =	shalt  }
0x6a: {  	_ =	shalt  }
0x6b: {  	_ =	shalt  }
0x6c: {  	_ =	shalt  }
0x6d: {  	_ =	shalt  }
0x6e: {  	_ =	shalt  }
0x6f: {  	_ =	shalt  }
0x70: {  	_ =	shalt  }
0x71: {  	_ =	shalt  }
0x72: {  	_ =	shalt  }
0x73: {  	_ =	shalt  }
0x74: {  	_ =	shalt  }
0x75: {  	_ =	shalt  }
0x76: {  	_ =	shalt  }
0x77: {  	_ =	shalt  }
0x78: {  	_ =	shalt  }
0x79: {  	_ =	shalt  }
0x7a: {  	_ =	shalt  }
0x7b: {  	_ =	shalt  }
0x7c: {  	_ =	shalt  }
0x7d: {  	_ =	shalt  }
0x7e: {  	_ =	shalt  }
0x7f: {  	_ =	shalt  }
0x80: {  	_ =	shalt  }
0x81: {  	_ =	shalt  }
0x82: {  	_ =	shalt  }
0x83: {  	_ =	shalt  }
0x84: {  	_ =	shalt  }
0x85: {  	_ =	shalt  }
0x86: {  	_ =	shalt  }
0x87: {  	_ =	shalt  }
.Lfunc_end0:
.L_simem_size_0:
called_computation_lowered:
.L_overlay_start_0:
0x88: {  	s2 =	sld [smem:$0x3FD9]  }
0x89: {  	s3 =	sld [smem:$0x3FFE];
	_ =	sdelay $0x1  }
0x8a: {  	s1 =	srdreg.scid  }
0x8b: {  	s0 =	sand.u32 $0x1, s1  }
0x8c: {  	s16 =	sshll.u32 s0, $0xA;
	s2 =	sadd.s32 s3, s2  }
0x8d: {  	s2 =	sadd.s32 s2, s16  }
0x8e: {  	[smem:$0x3FC1] =	sst s2  }
0x8f: {  	_ = 	snop  }
0x90: {  	(tm) =	ssettm $0x1  }
0x91: {  	s17 =	sld [smem:$0x3FFB];
	_ =	sdelay $0x3  }
0x92: {  	_ =	strace s17  }
0x93: {  	s2 =	sld [smem:$0x3FFC];
	_ =	sdelay $0x3  }
0x94: {  	_ =	strace s2  }
0x95: {  	s2 =	sld [smem:$0x3FFD];
	_ =	sdelay $0x3  }
0x96: {  	_ =	strace s2  }
0x97: {  	_ =	strace $0x8FFFFFFF  }
0x98: {  	s18 =	sld [smem:$0x3FDB];
	_ =	sdelay $0x1  }
0x99: {  	s19 =	simm.s32 $_scs_section_size  }
0x9a: {  	s4 =	simm.s32 $_size__tile_overlayer_lowered;
	s5 =	simm.s32 $_tile_overlayer_lowered  }
0x9b: {  	s22 =	simm.s32 $0x1BFF;
	s21 =	sshll.u32 s5, $0x1;
	s2 =	sadd.s32 s19, s18  }
0x9c: {  	s6 =	simm.s32 $0x0;
	s20 =	sshll.u32 s4, $0x1;
	s4 =	sadd.s32 s21, s2  }
0x9d: {  	[timem:s6], [sflag:s22] =	dma.local [hbm:s4], s20  }
0x9e: {  	_ =	swait.ge [sflag:s22], s20  }
0x9f: {  	s3 =	ssub.s32 $0x0, s20;
	[sflag:s22] =	ssyncset.done $0x0  }
0xa0: {  	[sflag:s22] =	ssyncadd.s32 s3;
	_ =	sdelay $0x1  }
0xa1: {  	s23 =	simm.s32 $0x1B8B  }
0xa2: {  	_ =	swait.ge [sflag:s23], $0x1  }
0xa3: {  	[sflag:s23] =	ssyncset.done $0x0  }
0xa4: {  	s25 =	simm.s32 $0x1B8E;
	s24 =	sld [smem:$0x3FFE];
	[sflag:s23] =	ssyncadd.s32 $0xFFFFFFFF  }
0xa5: {  	s26 =	simm.s32 $execute0_lowered;
	[smem:$0x3FD2] =	sst s25  }
0xa6: {  	s4 =	sshll.u32 s26, $0x1;
	_ =	strace $0x80000046;
	[dreg:$0x1] =	wrdreg $0xFFFFFFFF  }
0xa7: {  	s28 =	simm.s32 $_size_execute0_lowered;
	s2 =	sadd.s32 s2, s4;
	[dreg:$0x0] =	wrdreg $0x0  }
0xa8: {  	s4 =	sshll.u32 s28, $0x1;
	[dreg:$0x2] =	wrdreg s2  }
0xa9: {  	[dreg:$0x3] =	wrdreg s4  }
0xaa: {  	[dreg:$0x4] =	wrdreg $0xC0  }
0xab: {  	_ =	task [dreg:s6], $0x5FFFF  }
0xac: {  	[dreg:$0x1] =	wrdreg $0xFFFFFFFF  }
0xad: {  	[dreg:$0x0] =	wrdreg $0x60  }
0xae: {  	[dreg:$0x2] =	wrdreg s24  }
0xaf: {  	[dreg:$0x3] =	wrdreg $0x0  }
0xb0: {  	[dreg:$0x4] =	wrdreg $0x9  }
0xb1: {  	_ =	task.clear_ibuf [dreg:s6], $0x5FFFF;
	_ =	strace $0x90000046  }
0xb2: {  	s29 =	simm.s32 $0x9;
	_ =	strace $0x80000048  }
0xb3: {  	_ =	swait.ge [sflag:s29], $0x1  }
0xb4: {  	[sflag:s29] =	ssyncadd.s32 $0xFFFFFFFF  }
0xb5: {  	_ =	strace $0x90000048  }
0xb6: {  	_ =	sfence  }
0xb7: {  	s30 =	sld [smem:$0x0];
	_ =	sdelay $0x2  }
0xb8: {  	s31 =	sshll.u32 s1, $0xD;
	s1 =	sshrl.u32 s1, $0x2  }
0xb9: {  	s3 =	sand.u32 $0x4000, s31;
	s1 =	sadd.s32 s1, s30  }
0xba: {  	s0 =	sor.u32 s3, s0;
	s1 =	sshll.u32 s1, $0x11  }
0xbb: {  	s0 =	sor.u32 s1, s0  }
0xbc: {  	s0 =	sadd.s32 $0x8F2B, s0  }
0xbd: {  	[sflag:s0] =	ssyncadd.remote.s32 $0x1  }
0xbe: {  	_ =	sfence.sel $0xFFFF  }
0xbf: {  	[dreg:$0x0] =	wrdreg $0xFFFFFFFF;
	(pc) =	sbr.abs _section_cstart, $3  }
0xc0: {  	[dreg:$0x1] =	wrdreg $0xFFFFFFFF  }
0xc1: {  	_ =	task.clear_ibuf [dreg:s6], $0x2FFFF;
	_ =	strace $0x9FFFFFFF  }
0xc2: {  	(tm) =	ssettm $0x7FFFFFFF  }
0xc3: {  	_ =	shalt  }
tec
execute0_lowered:
.L_overlay_start_1:
0x0: {  	(tag) =	ssettag $0x1  }
0x1: {  	s4 =	rddreg [dreg:$0x0]  }
0x2: {  	s2 =	rddreg [dreg:$0x1]  }
0x3: {  	s0 =	rddreg [dreg:$0x2];
	s3 =	simm.s32 $0x0;
	s1 =	stileid.u32  }
0x4: {  	s7 =	srdreg.scid;
	s15 =	simm.s32 $0x300;
	s16 =	simm.s32 $0x1  }
0x5: {  	s17 =	simm.s32 $0x80;
	s18 =	simm.s32 $0x380;
	s19 =	simm.s32 $0x2  }
0x6: {  	s20 =	simm.s32 $0x20;
	s21 =	simm.s32 $0x10;
	s22 =	simm.s32 $0x0  }
0x7: {  	[smem:$0x7FF] =	sst s3;
	s5 =	smul.u32 $0x280, s1;
	s11 =	sadd.s32 $0x1E00, s4  }
0x8: {  	s7 =	sand.u32 $0x1, s7;
	s8 =	smul.u32 $0x500, s1;
	s9 =	sshll.u32 s1, $0x1  }
0x9: {  	s13 =	smul.u32 $0x5000, s1;
	s29 =	sshll.u32 s1, $0x6;
	_ =	strace $0x80000047  }
0xa: {  	s10 =	sshll.u32 s7, $0x7;
	s9 =	sor.u32 s7, s9;
	s25 =	ssub.s32 $0x2, s7  }
0xb: {  	s7 =	smul.u32 $0x2800, s7;
	s6 =	sshrl.u32 s5, $0x3;
	s8 =	sor.u32 s10, s8  }
0xc: {  	s9 =	smul.u32 $0x2800, s9;
	s12 =	sshrl.u32 s25, $0x1;
	s26 =	sadd.s32 s5, s2  }
0xd: {  	s6 =	sadd.s32 s6, s4;
	s8 =	sshrl.u32 s8, $0x3;
	s10 =	ssub.s32 s25, s12  }
0xe: {  	s30 =	sadd.s32 s7, s13;
	s12 =	sshrl.u32 s26, $0x3;
	s8 =	sadd.s32 s8, s4  }
0xf: {  	s4 =	sadd.s32 $0xBE00, s6;
	s28 =	sshrl.u32 s9, $0x3;
	s6 =	sor.u32 $0x1C03, s29  }
0x10: {  	s13 =	sor.u32 $0x180, s30;
	s14 =	sor.u32 $0x100, s30;
	s9 =	smax.u32 s10, $0x1  }
0x11: {  	s5 =	sadd.s32 s11, s28;
	s8 =	sadd.s32 $0xC400, s8;
	s13 =	sshrl.u32 s13, $0x3  }
0x12: {  	s31 =	sshrl.u32 s14, $0x3;
	s14 =	simm.s32 $0x280;
	s7 =	sadd.s32 $0x10, s5  }
0x13: {  	v0 =	vimm.f32 $1.000000000e+00;
	s10 =	sadd.s32 s13, s11;
	s11 =	sadd.s32 s31, s11;
	s13 =	simm.s32 $0x3  }
.LBB2_1:
0x14: {  	[spmem:s12], [sflag:s6] =	dma.local [hbm:s4], $0x50  }
0x15: {  	_ =	swait.ge [sflag:s13], $0x50  }
0x16: {  	[sflag:s13] =	ssyncset.done $0x0  }
0x17: {  	[sflag:s13] =	ssyncadd.s32 $0xFFFFFFB0  }
0x18: {  	[tilespmem:$0x380] =	vst v0  }
0x19: {  	[tilespmem:$0x390] =	vst v0  }
0x1a: {  	[tilespmem:$0x3A0] =	vst v0  }
0x1b: {  	[tilespmem:$0x3B0] =	vst v0  }
0x1c: {  	[tilespmem:$0x3C0] =	vst v0  }
0x1d: {  	[tilespmem:$0x3D0] =	vst v0  }
0x1e: {  	[tilespmem:$0x3E0] =	vst v0  }
0x1f: {  	[tilespmem:$0x3F0] =	vst v0  }
0x20: {  	[bflag:$0x0] =	sbarrier.arrive $0xFFFF  }
0x21: {  	[tilespmem:s14], [sflag:$0x1] =	stream.linear.gather [hbm4b:s5+s3], $0x80, $0x38;
	[tilespmem:$0x400] =	vst v63  }
0x22: {  	_ = 	snop  }
0x23: {  	[tilespmem:s15], [sflag:$0x2] =	stream.linear.gather [hbm4b:s7+s3], $0x80, $0x38;
	[tilespmem:$0x400] =	vst v63  }
0x24: {  	_ =	swait.ge [sflag:s16], $0x80  }
0x25: {  	[sflag:s16] =	ssyncset.done $0x0  }
0x26: {  	[sflag:s16] =	ssyncadd.s32 $0xFFFFFF80  }
0x27: {  	[spmem:s2] =	stream.indirect.scatter.add.f32 [tilespmem:s18], [sflag:$0x3], $0x1, s14, s17, $0xb8;
	[tilespmem:$0x400] =	vst v63  }
0x28: {  	_ =	swait.ge [sflag:s13], $0x80  }
0x29: {  	[sflag:s13] =	ssyncset.done $0x0  }
0x2a: {  	s23 =	sadd.s32 $0x0, s11;
	[sflag:s13] =	ssyncadd.s32 $0xFFFFFF80  }
0x2b: {  	[tilespmem:s14], [sflag:$0x1] =	stream.linear.gather [hbm4b:s23+s3], $0x80, $0x38;
	[tilespmem:$0x400] =	vst v63  }
0x2c: {  	_ =	swait.ge [sflag:s19], $0x80  }
0x2d: {  	[sflag:s19] =	ssyncset.done $0x0  }
0x2e: {  	[sflag:s19] =	ssyncadd.s32 $0xFFFFFF80  }
0x2f: {  	[spmem:s2] =	stream.indirect.scatter.add.f32 [tilespmem:s18], [sflag:$0x3], $0x1, s15, s17, $0xb8;
	[tilespmem:$0x400] =	vst v63  }
0x30: {  	_ =	swait.ge [sflag:s13], $0x80  }
0x31: {  	[sflag:s13] =	ssyncset.done $0x0  }
0x32: {  	s24 =	sadd.s32 $0x0, s10;
	s23 =	simm.s32 $0x20;
	[sflag:s13] =	ssyncadd.s32 $0xFFFFFF80  }
.LBB2_2:
0x33: {  	[tilespmem:s15], [sflag:$0x2] =	stream.linear.gather [hbm4b:s24+s3], $0x80, $0x38;
	[tilespmem:$0x400] =	vst v63  }
0x34: {  	s24 =	smov.u32 s23  }
0x35: {  	p0 =	sne.s32 s23, $0x4C0;
	s23 =	sadd.s32 $0x20, s23;
	_ =	swait.ge [sflag:s16], $0x80  }
0x36: {  	[sflag:s16] =	ssyncset.done $0x0  }
0x37: {  	[sflag:s16] =	ssyncadd.s32 $0xFFFFFF80  }
0x38: {  	[spmem:s2] =	stream.indirect.scatter.add.f32 [tilespmem:s18], [sflag:$0x3], $0x1, s14, s17, $0xb8;
	[tilespmem:$0x400] =	vst v63  }
0x39: {  	_ =	swait.ge [sflag:s13], $0x80  }
0x3a: {  	[sflag:s13] =	ssyncset.done $0x0  }
0x3b: {  	s25 =	sadd.s32 s24, s11;
	[sflag:s13] =	ssyncadd.s32 $0xFFFFFF80  }
0x3c: {  	[tilespmem:s14], [sflag:$0x1] =	stream.linear.gather [hbm4b:s25+s3], $0x80, $0x38;
	[tilespmem:$0x400] =	vst v63  }
0x3d: {  	_ =	swait.ge [sflag:s19], $0x80  }
0x3e: {  	[sflag:s19] =	ssyncset.done $0x0  }
.Ltmp0:
0x3f: {  	[sflag:s19] =	ssyncadd.s32 $0xFFFFFF80;
	(pc) =	sbr.rel @p0 .LBB2_2-.Ltmp0, $4  }
0x40: {  	[spmem:s2] =	stream.indirect.scatter.add.f32 [tilespmem:s18], [sflag:$0x3], $0x1, s15, s17, $0xb8;
	[tilespmem:$0x400] =	vst v63  }
0x41: {  	_ =	swait.ge [sflag:s13], $0x80  }
0x42: {  	[sflag:s13] =	ssyncset.done $0x0  }
0x43: {  	s24 =	sadd.s32 s24, s10;
	[sflag:s13] =	ssyncadd.s32 $0xFFFFFF80  }
0x44: {  	[tilespmem:s15], [sflag:$0x2] =	stream.linear.gather [hbm4b:s24+s3], $0x80, $0x38;
	[tilespmem:$0x400] =	vst v63  }
0x45: {  	_ =	swait.ge [sflag:s16], $0x80  }
0x46: {  	[sflag:s16] =	ssyncset.done $0x0  }
0x47: {  	[sflag:s16] =	ssyncadd.s32 $0xFFFFFF80  }
0x48: {  	[spmem:s2] =	stream.indirect.scatter.add.f32 [tilespmem:s18], [sflag:$0x3], $0x1, s14, s17, $0xb8;
	[tilespmem:$0x400] =	vst v63  }
0x49: {  	_ =	swait.ge [sflag:s13], $0x80  }
0x4a: {  	[sflag:s13] =	ssyncset.done $0x0  }
0x4b: {  	[sflag:s13] =	ssyncadd.s32 $0xFFFFFF80  }
0x4c: {  	_ =	swait.ge [sflag:s19], $0x80  }
0x4d: {  	[sflag:s19] =	ssyncset.done $0x0  }
0x4e: {  	[sflag:s19] =	ssyncadd.s32 $0xFFFFFF80  }
0x4f: {  	[spmem:s2] =	stream.indirect.scatter.add.f32 [tilespmem:s18], [sflag:$0x3], $0x1, s15, s17, $0xb8;
	[tilespmem:$0x400] =	vst v63  }
0x50: {  	_ =	swait.ge [sflag:s13], $0x80  }
0x51: {  	s22 =	sadd.s32 $0x1, s22;
	[sflag:s13] =	ssyncset.done $0x0  }
0x52: {  	p0 =	sne.s32 s22, s9;
	[sflag:s13] =	ssyncadd.s32 $0xFFFFFF80  }
.Ltmp1:
0x53: {  	[bflag:$0x0] =	sbarrier.arrive $0xFFFF;
	(pc) =	sbr.rel @p0 .LBB2_1-.Ltmp1, $4  }
0x54: {  	[hbm:s8@s20], [sflag:s6] =	dma.strided [spmem:s12@s21], $0x50, s16, $0x10   }
0x55: {  	_ =	swait.ge [sflag:s13], $0x50  }
0x56: {  	[sflag:s13] =	ssyncset.done $0x0  }
0x57: {  	[sflag:s13] =	ssyncadd.s32 $0xFFFFFFB0  }
0x58: {  	_ =	sfence.sel $0x180000  }
0x59: {  	[bflag:$0x0] =	sbarrier.arrive $0xFFFF  }
0x5a: {  	p0 =	sne.s32 s1, $0x0;
	_ =	strace $0x90000047  }
0x5b: {  	s0 =	sadd.s32 @!p0 $0x100000, s0;
	[bflag:$0x2] =	sbarrier.arrive $0xFFFF  }
0x5c: {  	[sflag:s0] =	ssyncadd.tile.s32 @!p0 $0x1;
	_ =	shalt  }
.Lfunc_end2:
_tile_overlayer_lowered:
.L_overlay_start_2:
0x5d: {  	(tag) =	ssettag $0x2  }
0x5e: {  	s0 =	rddreg [dreg:$0x0];
	s2 =	stileid.u32  }
0x5f: {  	s1 =	rddreg [dreg:$0x1];
	p0 =	sne.s32 s2, $0x0  }
0x60: {  	s3 =	rddreg [dreg:$0x2];
	[bflag:$0x3] =	sbarrier.arrive $0xFFFF;
	s2 =	simm.s32 @!p0 $0x1C03  }
0x61: {  	[timem:s3], [sflag:s2] =	dma.local @!p0 [hbm:s0], s1  }
0x62: {  	s0 =	simm.s32 @!p0 $0x3  }
0x63: {  	_ =	swait.ge @!p0 [sflag:s0], s1  }
0x64: {  	s1 =	ssub.s32 @!p0 $0x0, s1;
	[sflag:s0] =	ssyncset.done @!p0 $0x0  }
0x65: {  	[sflag:s0] =	ssyncadd.s32 @!p0 s1  }
0x66: {  	[bflag:$0x3] =	sbarrier.arrive $0xFFFF  }
0x67: {  	_ =	shalt  }

</sc_bundles>
